<compile_context>
chip_gen: v7x
topology: tpu7x:2x2x1
jax: 0.10.2.dev20260603
libtpu: 0.0.44.dev20260713+nightly
codegen_flags: <defaults>
</compile_context>

<pallas_src>
import functools

import jax
import jax.numpy as jnp
from jax import lax
from jax.experimental import pallas as pl
from jax.experimental.pallas import tpu as pltpu
from jax.experimental.pallas import tpu_sc as plsc

B = 16384
D = 32
NU = 1000000
NQ = 100000
TBLK = 65536

_info = plsc.get_sparse_core_info()
_NC, _NS = _info.num_cores, _info.num_subcores
_NW = _NC * _NS
_BPW = B // _NW
_CHUNK = 128
_NCH = _BPW // _CHUNK


def _project_tc_q(tab_t, W, b2d):
    n = tab_t.shape[1]

    def body(t_ref, w_ref, b_ref, o_ref):
        w = w_ref[...]
        wd = w[0:1, D:] - w[1:2, D:]
        s = lax.dot_general(wd, t_ref[...], (((1,), (0,)), ((), ())),
                            preferred_element_type=jnp.float32)
        bb = b_ref[...]
        o_ref[...] = s[0] + (bb[0, 0] - bb[0, 1])

    return pl.pallas_call(
        body,
        grid=(pl.cdiv(n, TBLK),),
        in_specs=[
            pl.BlockSpec((D, TBLK), lambda i: (0, i)),
            pl.BlockSpec((2, 2 * D), lambda i: (0, 0)),
            pl.BlockSpec((1, 2), lambda i: (0, 0)),
        ],
        out_specs=pl.BlockSpec((TBLK,), lambda i: (i,)),
        out_shape=jax.ShapeDtypeStruct((n,), jnp.float32),
    )(tab_t, W, b2d)


def _project_tc_u(tab_t, W):
    n = tab_t.shape[1]

    def body(t_ref, w_ref, o_ref):
        w = w_ref[...]
        wd = w[0:1, :D] - w[1:2, :D]
        s = lax.dot_general(wd, t_ref[...], (((1,), (0,)), ((), ())),
                            preferred_element_type=jnp.float32)
        o_ref[...] = s[0]

    return pl.pallas_call(
        body,
        grid=(pl.cdiv(n, TBLK),),
        in_specs=[
            pl.BlockSpec((D, TBLK), lambda i: (0, i)),
            pl.BlockSpec((2, 2 * D), lambda i: (0, 0)),
        ],
        out_specs=pl.BlockSpec((TBLK,), lambda i: (i,)),
        out_shape=jax.ShapeDtypeStruct((n,), jnp.float32),
    )(tab_t, W)


def _gather_sigmoid_sc(s_u, s_q, uids2d, qids2d):
    mesh = plsc.VectorSubcoreMesh(core_axis_name="c", subcore_axis_name="s")

    @functools.partial(
        pl.kernel,
        mesh=mesh,
        out_type=[
            jax.ShapeDtypeStruct((B,), jnp.float32),
            jax.ShapeDtypeStruct((B,), jnp.float32),
        ],
        scratch_types=[
            pltpu.VMEM((_NCH, _CHUNK), jnp.int32),
            pltpu.VMEM((_NCH, _CHUNK), jnp.int32),
            pltpu.VMEM((_BPW,), jnp.float32),
            pltpu.VMEM((_BPW,), jnp.float32),
            pltpu.VMEM((_BPW,), jnp.float32),
            pltpu.VMEM((_BPW,), jnp.float32),
            pltpu.SemaphoreType.DMA,
        ],
    )
    def body(su_hbm, sq_hbm, uids, qids, p0_hbm, p1_hbm,
             uidx, qidx, su_v, sq_v, p0_v, p1_v, sem):
        wid = lax.axis_index("s") * _NC + lax.axis_index("c")
        base = wid * _BPW
        cu = pltpu.async_copy(uids.at[pl.ds(wid * _NCH, _NCH)], uidx, sem)
        cq = pltpu.async_copy(qids.at[pl.ds(wid * _NCH, _NCH)], qidx, sem)
        cu.wait()
        cq.wait()
        copies = []
        for j in range(_NCH):
            sl = pl.ds(j * _CHUNK, _CHUNK)
            copies.append(pltpu.async_copy(
                su_hbm.at[uidx.at[j]], su_v.at[sl], sem))
            copies.append(pltpu.async_copy(
                sq_hbm.at[qidx.at[j]], sq_v.at[sl], sem))
        for c in copies:
            c.wait()
        for k in range(_BPW // 16):
            sl = pl.ds(k * 16, 16)
            ld = su_v[sl] + sq_v[sl]
            p0 = 1.0 / (1.0 + jnp.exp(-ld))
            p0_v[sl] = p0
            p1_v[sl] = 1.0 - p0
        pltpu.sync_copy(p0_v, p0_hbm.at[pl.ds(base, _BPW)])
        pltpu.sync_copy(p1_v, p1_hbm.at[pl.ds(base, _BPW)])

    return body(s_u, s_q, uids2d, qids2d)


def kernel(user_ids, question_ids, user_table, question_table, W, b):
    s_u = _project_tc_u(user_table.T, W)
    s_q = _project_tc_q(question_table.T, W, b.reshape(1, 2))
    uids2d = user_ids.astype(jnp.int32).reshape(B // _CHUNK, _CHUNK)
    qids2d = question_ids.astype(jnp.int32).reshape(B // _CHUNK, _CHUNK)
    p0, p1 = _gather_sigmoid_sc(s_u, s_q, uids2d, qids2d)
    return jnp.stack([p0, p1], axis=-1)

# --- scband reference (transcript-rebuilt; emitter-appended) ---
"""Pipeline reference for scband-simple-ktmodel-4956392259909 (READ-ONLY COPY).

The authoritative reference and input builder live on the scoring server;
editing this copy changes nothing except your own understanding.
"""

import jax, jax.numpy as jnp
import numpy as np

NUM_USERS = 1000000
NUM_QUESTIONS = 100000
EMBED_DIM = 32
BATCH = 16384


def setup_inputs(seed: int = 0) -> dict:
    key = jax.random.key(seed)
    k1, k2, k3, k4, k5, k6 = jax.random.split(key, 6)
    user_ids = jax.random.randint(k1, (BATCH,), 0, NUM_USERS, dtype=jnp.int32).astype(jnp.int64) if False else jax.random.randint(k1, (BATCH,), 0, NUM_USERS)
    question_ids = jax.random.randint(k2, (BATCH,), 0, NUM_QUESTIONS)
    user_table = jax.random.normal(k3, (NUM_USERS, EMBED_DIM), dtype=jnp.float32)
    question_table = jax.random.normal(k4, (NUM_QUESTIONS, EMBED_DIM), dtype=jnp.float32)
    # nn.Linear(embedding_dim*2, 2): weight [2, 64], bias [2]
    W = jax.random.normal(k5, (2, EMBED_DIM * 2), dtype=jnp.float32) * (1.0 / np.sqrt(EMBED_DIM * 2))
    b = jax.random.normal(k6, (2,), dtype=jnp.float32) * 0.01
    return {
        "user_ids": user_ids,
        "question_ids": question_ids,
        "user_table": user_table,
        "question_table": question_table,
        "W": W,
        "b": b,
    }


def reference(user_ids, question_ids, user_table, question_table, W, b):
    user_emb = jnp.take(user_table, user_ids, axis=0)            # [B, 32]
    question_emb = jnp.take(question_table, question_ids, axis=0)  # [B, 32]
    combined = jnp.concatenate([user_emb, question_emb], axis=-1)  # [B, 64]
    logits = combined @ W.T + b                                   # [B, 2]
    return jax.nn.softmax(logits, axis=-1)

if __name__ == "__main__":
    import jax
    _d = setup_inputs()
    print(jax.jit(kernel)(*tuple(_d.values())))

</pallas_src>

<mosaic_0001>
#map = affine_map<(d0, d1) -> (0)>
#map1 = affine_map<(d0, d1) -> (0, 0)>
module attributes {stable_mosaic.version = 14 : i64} {
  func.func @body(%arg0: i32, %arg1: i32, %arg2: memref<1000000xf32, #tpu.memory_space<hbm>>, %arg3: memref<100000xf32, #tpu.memory_space<hbm>>, %arg4: memref<128x128xi32, #tpu.memory_space<hbm>>, %arg5: memref<128x128xi32, #tpu.memory_space<hbm>>, %arg6: memref<16384xf32, #tpu.memory_space<hbm>>, %arg7: memref<16384xf32, #tpu.memory_space<hbm>>, %arg8: memref<4x128xi32, #tpu.memory_space<vmem>>, %arg9: memref<4x128xi32, #tpu.memory_space<vmem>>, %arg10: memref<512xf32, #tpu.memory_space<vmem>>, %arg11: memref<512xf32, #tpu.memory_space<vmem>>, %arg12: memref<512xf32, #tpu.memory_space<vmem>>, %arg13: memref<512xf32, #tpu.memory_space<vmem>>, %arg14: memref<!tpu.dma_semaphore, #tpu.memory_space<semaphore_mem>>) attributes {dimension_semantics = [#tpu.dimension_semantics<core_parallel>, #tpu.dimension_semantics<subcore_parallel>], iteration_bounds = array<i64: 2, 16>, scalar_prefetch = 0 : i64, scratch_operands = 7 : i64, tpu.core_type = #tpu.core_type<sc_vector_subcore>, window_params = [{transform_indices = #map}, {transform_indices = #map}, {transform_indices = #map1}, {transform_indices = #map1}, {transform_indices = #map}, {transform_indices = #map}]} {
    %mul3A = arith.constant 2 : i32
    %mul3A_0 = arith.muli %arg1, %mul3A : i32
    %add3A = arith.addi %mul3A_0, %arg0 : i32
    %mul3A_1 = arith.constant 512 : i32
    %mul3A_2 = arith.muli %add3A, %mul3A_1 : i32
    %mul3A_3 = arith.constant 4 : i32
    %mul3A_4 = arith.muli %add3A, %mul3A_3 : i32
    %dma_start3A = arith.constant 0 : i32
    %dma_start3A_5 = tpu.memref_slice %arg4[%mul3A_4, %dma_start3A] : memref<128x128xi32, #tpu.memory_space<hbm>> -> memref<4x128xi32, #tpu.memory_space<hbm>>
    %dma_start3A_6 = arith.constant 0 : i32
    %dma_start3A_7 = tpu.memref_slice %arg4[%mul3A_4, %dma_start3A_6] : memref<128x128xi32, #tpu.memory_space<hbm>> -> memref<4x128xi32, #tpu.memory_space<hbm>>
    tpu.enqueue_dma source(%dma_start3A_7 : memref<4x128xi32, #tpu.memory_space<hbm>>) target(%arg8 : memref<4x128xi32, #tpu.memory_space<vmem>>) target_semaphore(%arg14 : memref<!tpu.dma_semaphore, #tpu.memory_space<semaphore_mem>>)
    %mul3A_8 = arith.constant 4 : i32
    %mul3A_9 = arith.muli %add3A, %mul3A_8 : i32
    %dma_start3A_10 = arith.constant 0 : i32
    %dma_start3A_11 = tpu.memref_slice %arg5[%mul3A_9, %dma_start3A_10] : memref<128x128xi32, #tpu.memory_space<hbm>> -> memref<4x128xi32, #tpu.memory_space<hbm>>
    %dma_start3A_12 = arith.constant 0 : i32
    %dma_start3A_13 = tpu.memref_slice %arg5[%mul3A_9, %dma_start3A_12] : memref<128x128xi32, #tpu.memory_space<hbm>> -> memref<4x128xi32, #tpu.memory_space<hbm>>
    tpu.enqueue_dma source(%dma_start3A_13 : memref<4x128xi32, #tpu.memory_space<hbm>>) target(%arg9 : memref<4x128xi32, #tpu.memory_space<vmem>>) target_semaphore(%arg14 : memref<!tpu.dma_semaphore, #tpu.memory_space<semaphore_mem>>)
    %dma_wait3A = arith.constant 0 : i32
    %dma_wait3A_14 = tpu.memref_slice %arg4[%mul3A_4, %dma_wait3A] : memref<128x128xi32, #tpu.memory_space<hbm>> -> memref<4x128xi32, #tpu.memory_space<hbm>>
    %dma_wait3A_15 = arith.constant 0 : i32
    %dma_wait3A_16 = tpu.memref_slice %arg4[%mul3A_4, %dma_wait3A_15] : memref<128x128xi32, #tpu.memory_space<hbm>> -> memref<4x128xi32, #tpu.memory_space<hbm>>
    tpu.wait_dma2 semaphore(%arg14 : memref<!tpu.dma_semaphore, #tpu.memory_space<semaphore_mem>>) src(%dma_wait3A_16 : memref<4x128xi32, #tpu.memory_space<hbm>>) dst(%arg8 : memref<4x128xi32, #tpu.memory_space<vmem>>)
    %dma_wait3A_17 = arith.constant 0 : i32
    %dma_wait3A_18 = tpu.memref_slice %arg5[%mul3A_9, %dma_wait3A_17] : memref<128x128xi32, #tpu.memory_space<hbm>> -> memref<4x128xi32, #tpu.memory_space<hbm>>
    %dma_wait3A_19 = arith.constant 0 : i32
    %dma_wait3A_20 = tpu.memref_slice %arg5[%mul3A_9, %dma_wait3A_19] : memref<128x128xi32, #tpu.memory_space<hbm>> -> memref<4x128xi32, #tpu.memory_space<hbm>>
    tpu.wait_dma2 semaphore(%arg14 : memref<!tpu.dma_semaphore, #tpu.memory_space<semaphore_mem>>) src(%dma_wait3A_20 : memref<4x128xi32, #tpu.memory_space<hbm>>) dst(%arg9 : memref<4x128xi32, #tpu.memory_space<vmem>>)
    %dma_start3A_21 = arith.constant 0 : i32
    %dma_start3A_22 = arith.constant 0 : i32
    %dma_start3A_23 = tpu.memref_slice %arg10[%dma_start3A_22] : memref<512xf32, #tpu.memory_space<vmem>> -> memref<128xf32, #tpu.memory_space<vmem>>
    %dma_start3A_24 = arith.constant 0 : i32
    %dma_start3A_25 = tpu.memref_slice %arg8[%dma_start3A_21, %dma_start3A_24] : memref<4x128xi32, #tpu.memory_space<vmem>> -> memref<1x128xi32, #tpu.memory_space<vmem>>
    %dma_start3A_26 = tpu.memref_squeeze %dma_start3A_25 : memref<1x128xi32, #tpu.memory_space<vmem>> -> memref<128xi32, #tpu.memory_space<vmem>>
    %dma_start3A_27 = arith.constant 0 : i32
    %dma_start3A_28 = tpu.memref_slice %arg2[%dma_start3A_27] : memref<1000000xf32, #tpu.memory_space<hbm>> -> memref<1000000xf32, #tpu.memory_space<hbm>>
    tpu.enqueue_indirect_dma source(%dma_start3A_28 : memref<1000000xf32, #tpu.memory_space<hbm>>) target(%dma_start3A_23 : memref<128xf32, #tpu.memory_space<vmem>>) offsets(%dma_start3A_26 : memref<128xi32, #tpu.memory_space<vmem>>) semaphore(%arg14 : memref<!tpu.dma_semaphore, #tpu.memory_space<semaphore_mem>>)
    %dma_start3A_29 = arith.constant 0 : i32
    %dma_start3A_30 = arith.constant 0 : i32
    %dma_start3A_31 = tpu.memref_slice %arg11[%dma_start3A_30] : memref<512xf32, #tpu.memory_space<vmem>> -> memref<128xf32, #tpu.memory_space<vmem>>
    %dma_start3A_32 = arith.constant 0 : i32
    %dma_start3A_33 = tpu.memref_slice %arg9[%dma_start3A_29, %dma_start3A_32] : memref<4x128xi32, #tpu.memory_space<vmem>> -> memref<1x128xi32, #tpu.memory_space<vmem>>
    %dma_start3A_34 = tpu.memref_squeeze %dma_start3A_33 : memref<1x128xi32, #tpu.memory_space<vmem>> -> memref<128xi32, #tpu.memory_space<vmem>>
    %dma_start3A_35 = arith.constant 0 : i32
    %dma_start3A_36 = tpu.memref_slice %arg3[%dma_start3A_35] : memref<100000xf32, #tpu.memory_space<hbm>> -> memref<100000xf32, #tpu.memory_space<hbm>>
    tpu.enqueue_indirect_dma source(%dma_start3A_36 : memref<100000xf32, #tpu.memory_space<hbm>>) target(%dma_start3A_31 : memref<128xf32, #tpu.memory_space<vmem>>) offsets(%dma_start3A_34 : memref<128xi32, #tpu.memory_space<vmem>>) semaphore(%arg14 : memref<!tpu.dma_semaphore, #tpu.memory_space<semaphore_mem>>)
    %dma_start3A_37 = arith.constant 1 : i32
    %dma_start3A_38 = arith.constant 128 : i32
    %dma_start3A_39 = tpu.memref_slice %arg10[%dma_start3A_38] : memref<512xf32, #tpu.memory_space<vmem>> -> memref<128xf32, #tpu.memory_space<vmem>>
    %dma_start3A_40 = arith.constant 0 : i32
    %dma_start3A_41 = tpu.memref_slice %arg8[%dma_start3A_37, %dma_start3A_40] : memref<4x128xi32, #tpu.memory_space<vmem>> -> memref<1x128xi32, #tpu.memory_space<vmem>>
    %dma_start3A_42 = tpu.memref_squeeze %dma_start3A_41 : memref<1x128xi32, #tpu.memory_space<vmem>> -> memref<128xi32, #tpu.memory_space<vmem>>
    %dma_start3A_43 = arith.constant 0 : i32
    %dma_start3A_44 = tpu.memref_slice %arg2[%dma_start3A_43] : memref<1000000xf32, #tpu.memory_space<hbm>> -> memref<1000000xf32, #tpu.memory_space<hbm>>
    tpu.enqueue_indirect_dma source(%dma_start3A_44 : memref<1000000xf32, #tpu.memory_space<hbm>>) target(%dma_start3A_39 : memref<128xf32, #tpu.memory_space<vmem>>) offsets(%dma_start3A_42 : memref<128xi32, #tpu.memory_space<vmem>>) semaphore(%arg14 : memref<!tpu.dma_semaphore, #tpu.memory_space<semaphore_mem>>)
    %dma_start3A_45 = arith.constant 1 : i32
    %dma_start3A_46 = arith.constant 128 : i32
    %dma_start3A_47 = tpu.memref_slice %arg11[%dma_start3A_46] : memref<512xf32, #tpu.memory_space<vmem>> -> memref<128xf32, #tpu.memory_space<vmem>>
    %dma_start3A_48 = arith.constant 0 : i32
    %dma_start3A_49 = tpu.memref_slice %arg9[%dma_start3A_45, %dma_start3A_48] : memref<4x128xi32, #tpu.memory_space<vmem>> -> memref<1x128xi32, #tpu.memory_space<vmem>>
    %dma_start3A_50 = tpu.memref_squeeze %dma_start3A_49 : memref<1x128xi32, #tpu.memory_space<vmem>> -> memref<128xi32, #tpu.memory_space<vmem>>
    %dma_start3A_51 = arith.constant 0 : i32
    %dma_start3A_52 = tpu.memref_slice %arg3[%dma_start3A_51] : memref<100000xf32, #tpu.memory_space<hbm>> -> memref<100000xf32, #tpu.memory_space<hbm>>
    tpu.enqueue_indirect_dma source(%dma_start3A_52 : memref<100000xf32, #tpu.memory_space<hbm>>) target(%dma_start3A_47 : memref<128xf32, #tpu.memory_space<vmem>>) offsets(%dma_start3A_50 : memref<128xi32, #tpu.memory_space<vmem>>) semaphore(%arg14 : memref<!tpu.dma_semaphore, #tpu.memory_space<semaphore_mem>>)
    %dma_start3A_53 = arith.constant 2 : i32
    %dma_start3A_54 = arith.constant 256 : i32
    %dma_start3A_55 = tpu.memref_slice %arg10[%dma_start3A_54] : memref<512xf32, #tpu.memory_space<vmem>> -> memref<128xf32, #tpu.memory_space<vmem>>
    %dma_start3A_56 = arith.constant 0 : i32
    %dma_start3A_57 = tpu.memref_slice %arg8[%dma_start3A_53, %dma_start3A_56] : memref<4x128xi32, #tpu.memory_space<vmem>> -> memref<1x128xi32, #tpu.memory_space<vmem>>
    %dma_start3A_58 = tpu.memref_squeeze %dma_start3A_57 : memref<1x128xi32, #tpu.memory_space<vmem>> -> memref<128xi32, #tpu.memory_space<vmem>>
    %dma_start3A_59 = arith.constant 0 : i32
    %dma_start3A_60 = tpu.memref_slice %arg2[%dma_start3A_59] : memref<1000000xf32, #tpu.memory_space<hbm>> -> memref<1000000xf32, #tpu.memory_space<hbm>>
    tpu.enqueue_indirect_dma source(%dma_start3A_60 : memref<1000000xf32, #tpu.memory_space<hbm>>) target(%dma_start3A_55 : memref<128xf32, #tpu.memory_space<vmem>>) offsets(%dma_start3A_58 : memref<128xi32, #tpu.memory_space<vmem>>) semaphore(%arg14 : memref<!tpu.dma_semaphore, #tpu.memory_space<semaphore_mem>>)
    %dma_start3A_61 = arith.constant 2 : i32
    %dma_start3A_62 = arith.constant 256 : i32
    %dma_start3A_63 = tpu.memref_slice %arg11[%dma_start3A_62] : memref<512xf32, #tpu.memory_space<vmem>> -> memref<128xf32, #tpu.memory_space<vmem>>
    %dma_start3A_64 = arith.constant 0 : i32
    %dma_start3A_65 = tpu.memref_slice %arg9[%dma_start3A_61, %dma_start3A_64] : memref<4x128xi32, #tpu.memory_space<vmem>> -> memref<1x128xi32, #tpu.memory_space<vmem>>
    %dma_start3A_66 = tpu.memref_squeeze %dma_start3A_65 : memref<1x128xi32, #tpu.memory_space<vmem>> -> memref<128xi32, #tpu.memory_space<vmem>>
    %dma_start3A_67 = arith.constant 0 : i32
    %dma_start3A_68 = tpu.memref_slice %arg3[%dma_start3A_67] : memref<100000xf32, #tpu.memory_space<hbm>> -> memref<100000xf32, #tpu.memory_space<hbm>>
    tpu.enqueue_indirect_dma source(%dma_start3A_68 : memref<100000xf32, #tpu.memory_space<hbm>>) target(%dma_start3A_63 : memref<128xf32, #tpu.memory_space<vmem>>) offsets(%dma_start3A_66 : memref<128xi32, #tpu.memory_space<vmem>>) semaphore(%arg14 : memref<!tpu.dma_semaphore, #tpu.memory_space<semaphore_mem>>)
    %dma_start3A_69 = arith.constant 3 : i32
    %dma_start3A_70 = arith.constant 384 : i32
    %dma_start3A_71 = tpu.memref_slice %arg10[%dma_start3A_70] : memref<512xf32, #tpu.memory_space<vmem>> -> memref<128xf32, #tpu.memory_space<vmem>>
    %dma_start3A_72 = arith.constant 0 : i32
    %dma_start3A_73 = tpu.memref_slice %arg8[%dma_start3A_69, %dma_start3A_72] : memref<4x128xi32, #tpu.memory_space<vmem>> -> memref<1x128xi32, #tpu.memory_space<vmem>>
    %dma_start3A_74 = tpu.memref_squeeze %dma_start3A_73 : memref<1x128xi32, #tpu.memory_space<vmem>> -> memref<128xi32, #tpu.memory_space<vmem>>
    %dma_start3A_75 = arith.constant 0 : i32
    %dma_start3A_76 = tpu.memref_slice %arg2[%dma_start3A_75] : memref<1000000xf32, #tpu.memory_space<hbm>> -> memref<1000000xf32, #tpu.memory_space<hbm>>
    tpu.enqueue_indirect_dma source(%dma_start3A_76 : memref<1000000xf32, #tpu.memory_space<hbm>>) target(%dma_start3A_71 : memref<128xf32, #tpu.memory_space<vmem>>) offsets(%dma_start3A_74 : memref<128xi32, #tpu.memory_space<vmem>>) semaphore(%arg14 : memref<!tpu.dma_semaphore, #tpu.memory_space<semaphore_mem>>)
    %dma_start3A_77 = arith.constant 3 : i32
    %dma_start3A_78 = arith.constant 384 : i32
    %dma_start3A_79 = tpu.memref_slice %arg11[%dma_start3A_78] : memref<512xf32, #tpu.memory_space<vmem>> -> memref<128xf32, #tpu.memory_space<vmem>>
    %dma_start3A_80 = arith.constant 0 : i32
    %dma_start3A_81 = tpu.memref_slice %arg9[%dma_start3A_77, %dma_start3A_80] : memref<4x128xi32, #tpu.memory_space<vmem>> -> memref<1x128xi32, #tpu.memory_space<vmem>>
    %dma_start3A_82 = tpu.memref_squeeze %dma_start3A_81 : memref<1x128xi32, #tpu.memory_space<vmem>> -> memref<128xi32, #tpu.memory_space<vmem>>
    %dma_start3A_83 = arith.constant 0 : i32
    %dma_start3A_84 = tpu.memref_slice %arg3[%dma_start3A_83] : memref<100000xf32, #tpu.memory_space<hbm>> -> memref<100000xf32, #tpu.memory_space<hbm>>
    tpu.enqueue_indirect_dma source(%dma_start3A_84 : memref<100000xf32, #tpu.memory_space<hbm>>) target(%dma_start3A_79 : memref<128xf32, #tpu.memory_space<vmem>>) offsets(%dma_start3A_82 : memref<128xi32, #tpu.memory_space<vmem>>) semaphore(%arg14 : memref<!tpu.dma_semaphore, #tpu.memory_space<semaphore_mem>>)
    %dma_wait3A_85 = arith.constant 0 : i32
    %dma_wait3A_86 = arith.constant 0 : i32
    %dma_wait3A_87 = tpu.memref_slice %arg10[%dma_wait3A_86] : memref<512xf32, #tpu.memory_space<vmem>> -> memref<128xf32, #tpu.memory_space<vmem>>
    %dma_wait3A_88 = arith.constant 0 : i32
    %dma_wait3A_89 = tpu.memref_slice %arg8[%dma_wait3A_85, %dma_wait3A_88] : memref<4x128xi32, #tpu.memory_space<vmem>> -> memref<1x128xi32, #tpu.memory_space<vmem>>
    %dma_wait3A_90 = tpu.memref_squeeze %dma_wait3A_89 : memref<1x128xi32, #tpu.memory_space<vmem>> -> memref<128xi32, #tpu.memory_space<vmem>>
    %dma_wait3A_91 = arith.constant 0 : i32
    %dma_wait3A_92 = tpu.memref_slice %arg2[%dma_wait3A_91] : memref<1000000xf32, #tpu.memory_space<hbm>> -> memref<1000000xf32, #tpu.memory_space<hbm>>
    tpu.wait_indirect_dma semaphore(%arg14 : memref<!tpu.dma_semaphore, #tpu.memory_space<semaphore_mem>>) src(%dma_wait3A_92 : memref<1000000xf32, #tpu.memory_space<hbm>>) dst(%dma_wait3A_87 : memref<128xf32, #tpu.memory_space<vmem>>)
    %dma_wait3A_93 = arith.constant 0 : i32
    %dma_wait3A_94 = arith.constant 0 : i32
    %dma_wait3A_95 = tpu.memref_slice %arg11[%dma_wait3A_94] : memref<512xf32, #tpu.memory_space<vmem>> -> memref<128xf32, #tpu.memory_space<vmem>>
    %dma_wait3A_96 = arith.constant 0 : i32
    %dma_wait3A_97 = tpu.memref_slice %arg9[%dma_wait3A_93, %dma_wait3A_96] : memref<4x128xi32, #tpu.memory_space<vmem>> -> memref<1x128xi32, #tpu.memory_space<vmem>>
    %dma_wait3A_98 = tpu.memref_squeeze %dma_wait3A_97 : memref<1x128xi32, #tpu.memory_space<vmem>> -> memref<128xi32, #tpu.memory_space<vmem>>
    %dma_wait3A_99 = arith.constant 0 : i32
    %dma_wait3A_100 = tpu.memref_slice %arg3[%dma_wait3A_99] : memref<100000xf32, #tpu.memory_space<hbm>> -> memref<100000xf32, #tpu.memory_space<hbm>>
    tpu.wait_indirect_dma semaphore(%arg14 : memref<!tpu.dma_semaphore, #tpu.memory_space<semaphore_mem>>) src(%dma_wait3A_100 : memref<100000xf32, #tpu.memory_space<hbm>>) dst(%dma_wait3A_95 : memref<128xf32, #tpu.memory_space<vmem>>)
    %dma_wait3A_101 = arith.constant 1 : i32
    %dma_wait3A_102 = arith.constant 128 : i32
    %dma_wait3A_103 = tpu.memref_slice %arg10[%dma_wait3A_102] : memref<512xf32, #tpu.memory_space<vmem>> -> memref<128xf32, #tpu.memory_space<vmem>>
    %dma_wait3A_104 = arith.constant 0 : i32
    %dma_wait3A_105 = tpu.memref_slice %arg8[%dma_wait3A_101, %dma_wait3A_104] : memref<4x128xi32, #tpu.memory_space<vmem>> -> memref<1x128xi32, #tpu.memory_space<vmem>>
    %dma_wait3A_106 = tpu.memref_squeeze %dma_wait3A_105 : memref<1x128xi32, #tpu.memory_space<vmem>> -> memref<128xi32, #tpu.memory_space<vmem>>
    %dma_wait3A_107 = arith.constant 0 : i32
    %dma_wait3A_108 = tpu.memref_slice %arg2[%dma_wait3A_107] : memref<1000000xf32, #tpu.memory_space<hbm>> -> memref<1000000xf32, #tpu.memory_space<hbm>>
    tpu.wait_indirect_dma semaphore(%arg14 : memref<!tpu.dma_semaphore, #tpu.memory_space<semaphore_mem>>) src(%dma_wait3A_108 : memref<1000000xf32, #tpu.memory_space<hbm>>) dst(%dma_wait3A_103 : memref<128xf32, #tpu.memory_space<vmem>>)
    %dma_wait3A_109 = arith.constant 1 : i32
    %dma_wait3A_110 = arith.constant 128 : i32
    %dma_wait3A_111 = tpu.memref_slice %arg11[%dma_wait3A_110] : memref<512xf32, #tpu.memory_space<vmem>> -> memref<128xf32, #tpu.memory_space<vmem>>
    %dma_wait3A_112 = arith.constant 0 : i32
    %dma_wait3A_113 = tpu.memref_slice %arg9[%dma_wait3A_109, %dma_wait3A_112] : memref<4x128xi32, #tpu.memory_space<vmem>> -> memref<1x128xi32, #tpu.memory_space<vmem>>
    %dma_wait3A_114 = tpu.memref_squeeze %dma_wait3A_113 : memref<1x128xi32, #tpu.memory_space<vmem>> -> memref<128xi32, #tpu.memory_space<vmem>>
    %dma_wait3A_115 = arith.constant 0 : i32
    %dma_wait3A_116 = tpu.memref_slice %arg3[%dma_wait3A_115] : memref<100000xf32, #tpu.memory_space<hbm>> -> memref<100000xf32, #tpu.memory_space<hbm>>
    tpu.wait_indirect_dma semaphore(%arg14 : memref<!tpu.dma_semaphore, #tpu.memory_space<semaphore_mem>>) src(%dma_wait3A_116 : memref<100000xf32, #tpu.memory_space<hbm>>) dst(%dma_wait3A_111 : memref<128xf32, #tpu.memory_space<vmem>>)
    %dma_wait3A_117 = arith.constant 2 : i32
    %dma_wait3A_118 = arith.constant 256 : i32
    %dma_wait3A_119 = tpu.memref_slice %arg10[%dma_wait3A_118] : memref<512xf32, #tpu.memory_space<vmem>> -> memref<128xf32, #tpu.memory_space<vmem>>
    %dma_wait3A_120 = arith.constant 0 : i32
    %dma_wait3A_121 = tpu.memref_slice %arg8[%dma_wait3A_117, %dma_wait3A_120] : memref<4x128xi32, #tpu.memory_space<vmem>> -> memref<1x128xi32, #tpu.memory_space<vmem>>
    %dma_wait3A_122 = tpu.memref_squeeze %dma_wait3A_121 : memref<1x128xi32, #tpu.memory_space<vmem>> -> memref<128xi32, #tpu.memory_space<vmem>>
    %dma_wait3A_123 = arith.constant 0 : i32
    %dma_wait3A_124 = tpu.memref_slice %arg2[%dma_wait3A_123] : memref<1000000xf32, #tpu.memory_space<hbm>> -> memref<1000000xf32, #tpu.memory_space<hbm>>
    tpu.wait_indirect_dma semaphore(%arg14 : memref<!tpu.dma_semaphore, #tpu.memory_space<semaphore_mem>>) src(%dma_wait3A_124 : memref<1000000xf32, #tpu.memory_space<hbm>>) dst(%dma_wait3A_119 : memref<128xf32, #tpu.memory_space<vmem>>)
    %dma_wait3A_125 = arith.constant 2 : i32
    %dma_wait3A_126 = arith.constant 256 : i32
    %dma_wait3A_127 = tpu.memref_slice %arg11[%dma_wait3A_126] : memref<512xf32, #tpu.memory_space<vmem>> -> memref<128xf32, #tpu.memory_space<vmem>>
    %dma_wait3A_128 = arith.constant 0 : i32
    %dma_wait3A_129 = tpu.memref_slice %arg9[%dma_wait3A_125, %dma_wait3A_128] : memref<4x128xi32, #tpu.memory_space<vmem>> -> memref<1x128xi32, #tpu.memory_space<vmem>>
    %dma_wait3A_130 = tpu.memref_squeeze %dma_wait3A_129 : memref<1x128xi32, #tpu.memory_space<vmem>> -> memref<128xi32, #tpu.memory_space<vmem>>
    %dma_wait3A_131 = arith.constant 0 : i32
    %dma_wait3A_132 = tpu.memref_slice %arg3[%dma_wait3A_131] : memref<100000xf32, #tpu.memory_space<hbm>> -> memref<100000xf32, #tpu.memory_space<hbm>>
    tpu.wait_indirect_dma semaphore(%arg14 : memref<!tpu.dma_semaphore, #tpu.memory_space<semaphore_mem>>) src(%dma_wait3A_132 : memref<100000xf32, #tpu.memory_space<hbm>>) dst(%dma_wait3A_127 : memref<128xf32, #tpu.memory_space<vmem>>)
    %dma_wait3A_133 = arith.constant 3 : i32
    %dma_wait3A_134 = arith.constant 384 : i32
    %dma_wait3A_135 = tpu.memref_slice %arg10[%dma_wait3A_134] : memref<512xf32, #tpu.memory_space<vmem>> -> memref<128xf32, #tpu.memory_space<vmem>>
    %dma_wait3A_136 = arith.constant 0 : i32
    %dma_wait3A_137 = tpu.memref_slice %arg8[%dma_wait3A_133, %dma_wait3A_136] : memref<4x128xi32, #tpu.memory_space<vmem>> -> memref<1x128xi32, #tpu.memory_space<vmem>>
    %dma_wait3A_138 = tpu.memref_squeeze %dma_wait3A_137 : memref<1x128xi32, #tpu.memory_space<vmem>> -> memref<128xi32, #tpu.memory_space<vmem>>
    %dma_wait3A_139 = arith.constant 0 : i32
    %dma_wait3A_140 = tpu.memref_slice %arg2[%dma_wait3A_139] : memref<1000000xf32, #tpu.memory_space<hbm>> -> memref<1000000xf32, #tpu.memory_space<hbm>>
    tpu.wait_indirect_dma semaphore(%arg14 : memref<!tpu.dma_semaphore, #tpu.memory_space<semaphore_mem>>) src(%dma_wait3A_140 : memref<1000000xf32, #tpu.memory_space<hbm>>) dst(%dma_wait3A_135 : memref<128xf32, #tpu.memory_space<vmem>>)
    %dma_wait3A_141 = arith.constant 3 : i32
    %dma_wait3A_142 = arith.constant 384 : i32
    %dma_wait3A_143 = tpu.memref_slice %arg11[%dma_wait3A_142] : memref<512xf32, #tpu.memory_space<vmem>> -> memref<128xf32, #tpu.memory_space<vmem>>
    %dma_wait3A_144 = arith.constant 0 : i32
    %dma_wait3A_145 = tpu.memref_slice %arg9[%dma_wait3A_141, %dma_wait3A_144] : memref<4x128xi32, #tpu.memory_space<vmem>> -> memref<1x128xi32, #tpu.memory_space<vmem>>
    %dma_wait3A_146 = tpu.memref_squeeze %dma_wait3A_145 : memref<1x128xi32, #tpu.memory_space<vmem>> -> memref<128xi32, #tpu.memory_space<vmem>>
    %dma_wait3A_147 = arith.constant 0 : i32
    %dma_wait3A_148 = tpu.memref_slice %arg3[%dma_wait3A_147] : memref<100000xf32, #tpu.memory_space<hbm>> -> memref<100000xf32, #tpu.memory_space<hbm>>
    tpu.wait_indirect_dma semaphore(%arg14 : memref<!tpu.dma_semaphore, #tpu.memory_space<semaphore_mem>>) src(%dma_wait3A_148 : memref<100000xf32, #tpu.memory_space<hbm>>) dst(%dma_wait3A_143 : memref<128xf32, #tpu.memory_space<vmem>>)
    %get3A = arith.constant 0 : index
    %get3A_149 = tpu.vector_load %arg10[%get3A] {strides = array<i32>} : memref<512xf32, #tpu.memory_space<vmem>>, vector<16xf32>,
    %get3A_150 = vector.shape_cast %get3A_149 : vector<16xf32> to vector<16xf32>
    %get3A_151 = arith.constant 0 : index
    %get3A_152 = tpu.vector_load %arg11[%get3A_151] {strides = array<i32>} : memref<512xf32, #tpu.memory_space<vmem>>, vector<16xf32>,
    %get3A_153 = vector.shape_cast %get3A_152 : vector<16xf32> to vector<16xf32>
    %add3A_154 = arith.addf %get3A_150, %get3A_153 : vector<16xf32>
    %neg3A = arith.constant 0.000000e+00 : f32
    %neg3A_155 = vector.broadcast %neg3A : f32 to vector<16xf32>
    %neg3A_156 = arith.subf %neg3A_155, %add3A_154 : vector<16xf32>
    %exp3A = math.exp %neg3A_156 : vector<16xf32>
    %add3A_157 = arith.constant 1.000000e+00 : f32
    %add3A_158 = vector.broadcast %add3A_157 : f32 to vector<16xf32>
    %add3A_159 = arith.addf %add3A_158, %exp3A : vector<16xf32>
    %div3A = arith.constant 1.000000e+00 : f32
    %div3A_160 = vector.broadcast %div3A : f32 to vector<16xf32>
    %div3A_161 = arith.divf %div3A_160, %add3A_159 : vector<16xf32>
    %swap3A = arith.constant 0 : index
    %swap3A_162 = tpu.vector_load %arg12[%swap3A] {strides = array<i32>} : memref<512xf32, #tpu.memory_space<vmem>>, vector<16xf32>,
    %swap3A_163 = vector.shape_cast %swap3A_162 : vector<16xf32> to vector<16xf32>
    %swap3A_164 = vector.shape_cast %div3A_161 : vector<16xf32> to vector<16xf32>
    tpu.vector_store %arg12[%swap3A], %swap3A_164 {strides = array<i32>} : memref<512xf32, #tpu.memory_space<vmem>>, vector<16xf32>,
    %sub3A = arith.constant 1.000000e+00 : f32
    %sub3A_165 = vector.broadcast %sub3A : f32 to vector<16xf32>
    %sub3A_166 = arith.subf %sub3A_165, %div3A_161 : vector<16xf32>
    %swap3A_167 = arith.constant 0 : index
    %swap3A_168 = tpu.vector_load %arg13[%swap3A_167] {strides = array<i32>} : memref<512xf32, #tpu.memory_space<vmem>>, vector<16xf32>,
    %swap3A_169 = vector.shape_cast %swap3A_168 : vector<16xf32> to vector<16xf32>
    %swap3A_170 = vector.shape_cast %sub3A_166 : vector<16xf32> to vector<16xf32>
    tpu.vector_store %arg13[%swap3A_167], %swap3A_170 {strides = array<i32>} : memref<512xf32, #tpu.memory_space<vmem>>, vector<16xf32>,
    %get3A_171 = arith.constant 16 : index
    %get3A_172 = tpu.vector_load %arg10[%get3A_171] {strides = array<i32>} : memref<512xf32, #tpu.memory_space<vmem>>, vector<16xf32>,
    %get3A_173 = vector.shape_cast %get3A_172 : vector<16xf32> to vector<16xf32>
    %get3A_174 = arith.constant 16 : index
    %get3A_175 = tpu.vector_load %arg11[%get3A_174] {strides = array<i32>} : memref<512xf32, #tpu.memory_space<vmem>>, vector<16xf32>,
    %get3A_176 = vector.shape_cast %get3A_175 : vector<16xf32> to vector<16xf32>
    %add3A_177 = arith.addf %get3A_173, %get3A_176 : vector<16xf32>
    %neg3A_178 = arith.constant 0.000000e+00 : f32
    %neg3A_179 = vector.broadcast %neg3A_178 : f32 to vector<16xf32>
    %neg3A_180 = arith.subf %neg3A_179, %add3A_177 : vector<16xf32>
    %exp3A_181 = math.exp %neg3A_180 : vector<16xf32>
    %add3A_182 = arith.constant 1.000000e+00 : f32
    %add3A_183 = vector.broadcast %add3A_182 : f32 to vector<16xf32>
    %add3A_184 = arith.addf %add3A_183, %exp3A_181 : vector<16xf32>
    %div3A_185 = arith.constant 1.000000e+00 : f32
    %div3A_186 = vector.broadcast %div3A_185 : f32 to vector<16xf32>
    %div3A_187 = arith.divf %div3A_186, %add3A_184 : vector<16xf32>
    %swap3A_188 = arith.constant 16 : index
    %swap3A_189 = tpu.vector_load %arg12[%swap3A_188] {strides = array<i32>} : memref<512xf32, #tpu.memory_space<vmem>>, vector<16xf32>,
    %swap3A_190 = vector.shape_cast %swap3A_189 : vector<16xf32> to vector<16xf32>
    %swap3A_191 = vector.shape_cast %div3A_187 : vector<16xf32> to vector<16xf32>
    tpu.vector_store %arg12[%swap3A_188], %swap3A_191 {strides = array<i32>} : memref<512xf32, #tpu.memory_space<vmem>>, vector<16xf32>,
    %sub3A_192 = arith.constant 1.000000e+00 : f32
    %sub3A_193 = vector.broadcast %sub3A_192 : f32 to vector<16xf32>
    %sub3A_194 = arith.subf %sub3A_193, %div3A_187 : vector<16xf32>
    %swap3A_195 = arith.constant 16 : index
    %swap3A_196 = tpu.vector_load %arg13[%swap3A_195] {strides = array<i32>} : memref<512xf32, #tpu.memory_space<vmem>>, vector<16xf32>,
    %swap3A_197 = vector.shape_cast %swap3A_196 : vector<16xf32> to vector<16xf32>
    %swap3A_198 = vector.shape_cast %sub3A_194 : vector<16xf32> to vector<16xf32>
    tpu.vector_store %arg13[%swap3A_195], %swap3A_198 {strides = array<i32>} : memref<512xf32, #tpu.memory_space<vmem>>, vector<16xf32>,
    %get3A_199 = arith.constant 32 : index
    %get3A_200 = tpu.vector_load %arg10[%get3A_199] {strides = array<i32>} : memref<512xf32, #tpu.memory_space<vmem>>, vector<16xf32>,
    %get3A_201 = vector.shape_cast %get3A_200 : vector<16xf32> to vector<16xf32>
    %get3A_202 = arith.constant 32 : index
    %get3A_203 = tpu.vector_load %arg11[%get3A_202] {strides = array<i32>} : memref<512xf32, #tpu.memory_space<vmem>>, vector<16xf32>,
    %get3A_204 = vector.shape_cast %get3A_203 : vector<16xf32> to vector<16xf32>
    %add3A_205 = arith.addf %get3A_201, %get3A_204 : vector<16xf32>
    %neg3A_206 = arith.constant 0.000000e+00 : f32
    %neg3A_207 = vector.broadcast %neg3A_206 : f32 to vector<16xf32>
    %neg3A_208 = arith.subf %neg3A_207, %add3A_205 : vector<16xf32>
    %exp3A_209 = math.exp %neg3A_208 : vector<16xf32>
    %add3A_210 = arith.constant 1.000000e+00 : f32
    %add3A_211 = vector.broadcast %add3A_210 : f32 to vector<16xf32>
    %add3A_212 = arith.addf %add3A_211, %exp3A_209 : vector<16xf32>
    %div3A_213 = arith.constant 1.000000e+00 : f32
    %div3A_214 = vector.broadcast %div3A_213 : f32 to vector<16xf32>
    %div3A_215 = arith.divf %div3A_214, %add3A_212 : vector<16xf32>
    %swap3A_216 = arith.constant 32 : index
    %swap3A_217 = tpu.vector_load %arg12[%swap3A_216] {strides = array<i32>} : memref<512xf32, #tpu.memory_space<vmem>>, vector<16xf32>,
    %swap3A_218 = vector.shape_cast %swap3A_217 : vector<16xf32> to vector<16xf32>
    %swap3A_219 = vector.shape_cast %div3A_215 : vector<16xf32> to vector<16xf32>
    tpu.vector_store %arg12[%swap3A_216], %swap3A_219 {strides = array<i32>} : memref<512xf32, #tpu.memory_space<vmem>>, vector<16xf32>,
    %sub3A_220 = arith.constant 1.000000e+00 : f32
    %sub3A_221 = vector.broadcast %sub3A_220 : f32 to vector<16xf32>
    %sub3A_222 = arith.subf %sub3A_221, %div3A_215 : vector<16xf32>
    %swap3A_223 = arith.constant 32 : index
    %swap3A_224 = tpu.vector_load %arg13[%swap3A_223] {strides = array<i32>} : memref<512xf32, #tpu.memory_space<vmem>>, vector<16xf32>,
    %swap3A_225 = vector.shape_cast %swap3A_224 : vector<16xf32> to vector<16xf32>
    %swap3A_226 = vector.shape_cast %sub3A_222 : vector<16xf32> to vector<16xf32>
    tpu.vector_store %arg13[%swap3A_223], %swap3A_226 {strides = array<i32>} : memref<512xf32, #tpu.memory_space<vmem>>, vector<16xf32>,
    %get3A_227 = arith.constant 48 : index
    %get3A_228 = tpu.vector_load %arg10[%get3A_227] {strides = array<i32>} : memref<512xf32, #tpu.memory_space<vmem>>, vector<16xf32>,
    %get3A_229 = vector.shape_cast %get3A_228 : vector<16xf32> to vector<16xf32>
    %get3A_230 = arith.constant 48 : index
    %get3A_231 = tpu.vector_load %arg11[%get3A_230] {strides = array<i32>} : memref<512xf32, #tpu.memory_space<vmem>>, vector<16xf32>,
    %get3A_232 = vector.shape_cast %get3A_231 : vector<16xf32> to vector<16xf32>
    %add3A_233 = arith.addf %get3A_229, %get3A_232 : vector<16xf32>
    %neg3A_234 = arith.constant 0.000000e+00 : f32
    %neg3A_235 = vector.broadcast %neg3A_234 : f32 to vector<16xf32>
    %neg3A_236 = arith.subf %neg3A_235, %add3A_233 : vector<16xf32>
    %exp3A_237 = math.exp %neg3A_236 : vector<16xf32>
    %add3A_238 = arith.constant 1.000000e+00 : f32
    %add3A_239 = vector.broadcast %add3A_238 : f32 to vector<16xf32>
    %add3A_240 = arith.addf %add3A_239, %exp3A_237 : vector<16xf32>
    %div3A_241 = arith.constant 1.000000e+00 : f32
    %div3A_242 = vector.broadcast %div3A_241 : f32 to vector<16xf32>
    %div3A_243 = arith.divf %div3A_242, %add3A_240 : vector<16xf32>
    %swap3A_244 = arith.constant 48 : index
    %swap3A_245 = tpu.vector_load %arg12[%swap3A_244] {strides = array<i32>} : memref<512xf32, #tpu.memory_space<vmem>>, vector<16xf32>,
    %swap3A_246 = vector.shape_cast %swap3A_245 : vector<16xf32> to vector<16xf32>
    %swap3A_247 = vector.shape_cast %div3A_243 : vector<16xf32> to vector<16xf32>
    tpu.vector_store %arg12[%swap3A_244], %swap3A_247 {strides = array<i32>} : memref<512xf32, #tpu.memory_space<vmem>>, vector<16xf32>,
    %sub3A_248 = arith.constant 1.000000e+00 : f32
    %sub3A_249 = vector.broadcast %sub3A_248 : f32 to vector<16xf32>
    %sub3A_250 = arith.subf %sub3A_249, %div3A_243 : vector<16xf32>
    %swap3A_251 = arith.constant 48 : index
    %swap3A_252 = tpu.vector_load %arg13[%swap3A_251] {strides = array<i32>} : memref<512xf32, #tpu.memory_space<vmem>>, vector<16xf32>,
    %swap3A_253 = vector.shape_cast %swap3A_252 : vector<16xf32> to vector<16xf32>
    %swap3A_254 = vector.shape_cast %sub3A_250 : vector<16xf32> to vector<16xf32>
    tpu.vector_store %arg13[%swap3A_251], %swap3A_254 {strides = array<i32>} : memref<512xf32, #tpu.memory_space<vmem>>, vector<16xf32>,
    %get3A_255 = arith.constant 64 : index
    %get3A_256 = tpu.vector_load %arg10[%get3A_255] {strides = array<i32>} : memref<512xf32, #tpu.memory_space<vmem>>, vector<16xf32>,
    %get3A_257 = vector.shape_cast %get3A_256 : vector<16xf32> to vector<16xf32>
    %get3A_258 = arith.constant 64 : index
    %get3A_259 = tpu.vector_load %arg11[%get3A_258] {strides = array<i32>} : memref<512xf32, #tpu.memory_space<vmem>>, vector<16xf32>,
    %get3A_260 = vector.shape_cast %get3A_259 : vector<16xf32> to vector<16xf32>
    %add3A_261 = arith.addf %get3A_257, %get3A_260 : vector<16xf32>
    %neg3A_262 = arith.constant 0.000000e+00 : f32
    %neg3A_263 = vector.broadcast %neg3A_262 : f32 to vector<16xf32>
    %neg3A_264 = arith.subf %neg3A_263, %add3A_261 : vector<16xf32>
    %exp3A_265 = math.exp %neg3A_264 : vector<16xf32>
    %add3A_266 = arith.constant 1.000000e+00 : f32
    %add3A_267 = vector.broadcast %add3A_266 : f32 to vector<16xf32>
    %add3A_268 = arith.addf %add3A_267, %exp3A_265 : vector<16xf32>
    %div3A_269 = arith.constant 1.000000e+00 : f32
    %div3A_270 = vector.broadcast %div3A_269 : f32 to vector<16xf32>
    %div3A_271 = arith.divf %div3A_270, %add3A_268 : vector<16xf32>
    %swap3A_272 = arith.constant 64 : index
    %swap3A_273 = tpu.vector_load %arg12[%swap3A_272] {strides = array<i32>} : memref<512xf32, #tpu.memory_space<vmem>>, vector<16xf32>,
    %swap3A_274 = vector.shape_cast %swap3A_273 : vector<16xf32> to vector<16xf32>
    %swap3A_275 = vector.shape_cast %div3A_271 : vector<16xf32> to vector<16xf32>
    tpu.vector_store %arg12[%swap3A_272], %swap3A_275 {strides = array<i32>} : memref<512xf32, #tpu.memory_space<vmem>>, vector<16xf32>,
    %sub3A_276 = arith.constant 1.000000e+00 : f32
    %sub3A_277 = vector.broadcast %sub3A_276 : f32 to vector<16xf32>
    %sub3A_278 = arith.subf %sub3A_277, %div3A_271 : vector<16xf32>
    %swap3A_279 = arith.constant 64 : index
    %swap3A_280 = tpu.vector_load %arg13[%swap3A_279] {strides = array<i32>} : memref<512xf32, #tpu.memory_space<vmem>>, vector<16xf32>,
    %swap3A_281 = vector.shape_cast %swap3A_280 : vector<16xf32> to vector<16xf32>
    %swap3A_282 = vector.shape_cast %sub3A_278 : vector<16xf32> to vector<16xf32>
    tpu.vector_store %arg13[%swap3A_279], %swap3A_282 {strides = array<i32>} : memref<512xf32, #tpu.memory_space<vmem>>, vector<16xf32>,
    %get3A_283 = arith.constant 80 : index
    %get3A_284 = tpu.vector_load %arg10[%get3A_283] {strides = array<i32>} : memref<512xf32, #tpu.memory_space<vmem>>, vector<16xf32>,
    %get3A_285 = vector.shape_cast %get3A_284 : vector<16xf32> to vector<16xf32>
    %get3A_286 = arith.constant 80 : index
    %get3A_287 = tpu.vector_load %arg11[%get3A_286] {strides = array<i32>} : memref<512xf32, #tpu.memory_space<vmem>>, vector<16xf32>,
    %get3A_288 = vector.shape_cast %get3A_287 : vector<16xf32> to vector<16xf32>
    %add3A_289 = arith.addf %get3A_285, %get3A_288 : vector<16xf32>
    %neg3A_290 = arith.constant 0.000000e+00 : f32
    %neg3A_291 = vector.broadcast %neg3A_290 : f32 to vector<16xf32>
    %neg3A_292 = arith.subf %neg3A_291, %add3A_289 : vector<16xf32>
    %exp3A_293 = math.exp %neg3A_292 : vector<16xf32>
    %add3A_294 = arith.constant 1.000000e+00 : f32
    %add3A_295 = vector.broadcast %add3A_294 : f32 to vector<16xf32>
    %add3A_296 = arith.addf %add3A_295, %exp3A_293 : vector<16xf32>
    %div3A_297 = arith.constant 1.000000e+00 : f32
    %div3A_298 = vector.broadcast %div3A_297 : f32 to vector<16xf32>
    %div3A_299 = arith.divf %div3A_298, %add3A_296 : vector<16xf32>
    %swap3A_300 = arith.constant 80 : index
    %swap3A_301 = tpu.vector_load %arg12[%swap3A_300] {strides = array<i32>} : memref<512xf32, #tpu.memory_space<vmem>>, vector<16xf32>,
    %swap3A_302 = vector.shape_cast %swap3A_301 : vector<16xf32> to vector<16xf32>
    %swap3A_303 = vector.shape_cast %div3A_299 : vector<16xf32> to vector<16xf32>
    tpu.vector_store %arg12[%swap3A_300], %swap3A_303 {strides = array<i32>} : memref<512xf32, #tpu.memory_space<vmem>>, vector<16xf32>,
    %sub3A_304 = arith.constant 1.000000e+00 : f32
    %sub3A_305 = vector.broadcast %sub3A_304 : f32 to vector<16xf32>
    %sub3A_306 = arith.subf %sub3A_305, %div3A_299 : vector<16xf32>
    %swap3A_307 = arith.constant 80 : index
    %swap3A_308 = tpu.vector_load %arg13[%swap3A_307] {strides = array<i32>} : memref<512xf32, #tpu.memory_space<vmem>>, vector<16xf32>,
    %swap3A_309 = vector.shape_cast %swap3A_308 : vector<16xf32> to vector<16xf32>
    %swap3A_310 = vector.shape_cast %sub3A_306 : vector<16xf32> to vector<16xf32>
    tpu.vector_store %arg13[%swap3A_307], %swap3A_310 {strides = array<i32>} : memref<512xf32, #tpu.memory_space<vmem>>, vector<16xf32>,
    %get3A_311 = arith.constant 96 : index
    %get3A_312 = tpu.vector_load %arg10[%get3A_311] {strides = array<i32>} : memref<512xf32, #tpu.memory_space<vmem>>, vector<16xf32>,
    %get3A_313 = vector.shape_cast %get3A_312 : vector<16xf32> to vector<16xf32>
    %get3A_314 = arith.constant 96 : index
    %get3A_315 = tpu.vector_load %arg11[%get3A_314] {strides = array<i32>} : memref<512xf32, #tpu.memory_space<vmem>>, vector<16xf32>,
    %get3A_316 = vector.shape_cast %get3A_315 : vector<16xf32> to vector<16xf32>
    %add3A_317 = arith.addf %get3A_313, %get3A_316 : vector<16xf32>
    %neg3A_318 = arith.constant 0.000000e+00 : f32
    %neg3A_319 = vector.broadcast %neg3A_318 : f32 to vector<16xf32>
    %neg3A_320 = arith.subf %neg3A_319, %add3A_317 : vector<16xf32>
    %exp3A_321 = math.exp %neg3A_320 : vector<16xf32>
    %add3A_322 = arith.constant 1.000000e+00 : f32
    %add3A_323 = vector.broadcast %add3A_322 : f32 to vector<16xf32>
    %add3A_324 = arith.addf %add3A_323, %exp3A_321 : vector<16xf32>
    %div3A_325 = arith.constant 1.000000e+00 : f32
    %div3A_326 = vector.broadcast %div3A_325 : f32 to vector<16xf32>
    %div3A_327 = arith.divf %div3A_326, %add3A_324 : vector<16xf32>
    %swap3A_328 = arith.constant 96 : index
    %swap3A_329 = tpu.vector_load %arg12[%swap3A_328] {strides = array<i32>} : memref<512xf32, #tpu.memory_space<vmem>>, vector<16xf32>,
    %swap3A_330 = vector.shape_cast %swap3A_329 : vector<16xf32> to vector<16xf32>
    %swap3A_331 = vector.shape_cast %div3A_327 : vector<16xf32> to vector<16xf32>
    tpu.vector_store %arg12[%swap3A_328], %swap3A_331 {strides = array<i32>} : memref<512xf32, #tpu.memory_space<vmem>>, vector<16xf32>,
    %sub3A_332 = arith.constant 1.000000e+00 : f32
    %sub3A_333 = vector.broadcast %sub3A_332 : f32 to vector<16xf32>
    %sub3A_334 = arith.subf %sub3A_333, %div3A_327 : vector<16xf32>
    %swap3A_335 = arith.constant 96 : index
    %swap3A_336 = tpu.vector_load %arg13[%swap3A_335] {strides = array<i32>} : memref<512xf32, #tpu.memory_space<vmem>>, vector<16xf32>,
    %swap3A_337 = vector.shape_cast %swap3A_336 : vector<16xf32> to vector<16xf32>
    %swap3A_338 = vector.shape_cast %sub3A_334 : vector<16xf32> to vector<16xf32>
    tpu.vector_store %arg13[%swap3A_335], %swap3A_338 {strides = array<i32>} : memref<512xf32, #tpu.memory_space<vmem>>, vector<16xf32>,
    %get3A_339 = arith.constant 112 : index
    %get3A_340 = tpu.vector_load %arg10[%get3A_339] {strides = array<i32>} : memref<512xf32, #tpu.memory_space<vmem>>, vector<16xf32>,
    %get3A_341 = vector.shape_cast %get3A_340 : vector<16xf32> to vector<16xf32>
    %get3A_342 = arith.constant 112 : index
    %get3A_343 = tpu.vector_load %arg11[%get3A_342] {strides = array<i32>} : memref<512xf32, #tpu.memory_space<vmem>>, vector<16xf32>,
    %get3A_344 = vector.shape_cast %get3A_343 : vector<16xf32> to vector<16xf32>
    %add3A_345 = arith.addf %get3A_341, %get3A_344 : vector<16xf32>
    %neg3A_346 = arith.constant 0.000000e+00 : f32
    %neg3A_347 = vector.broadcast %neg3A_346 : f32 to vector<16xf32>
    %neg3A_348 = arith.subf %neg3A_347, %add3A_345 : vector<16xf32>
    %exp3A_349 = math.exp %neg3A_348 : vector<16xf32>
    %add3A_350 = arith.constant 1.000000e+00 : f32
    %add3A_351 = vector.broadcast %add3A_350 : f32 to vector<16xf32>
    %add3A_352 = arith.addf %add3A_351, %exp3A_349 : vector<16xf32>
    %div3A_353 = arith.constant 1.000000e+00 : f32
    %div3A_354 = vector.broadcast %div3A_353 : f32 to vector<16xf32>
    %div3A_355 = arith.divf %div3A_354, %add3A_352 : vector<16xf32>
    %swap3A_356 = arith.constant 112 : index
    %swap3A_357 = tpu.vector_load %arg12[%swap3A_356] {strides = array<i32>} : memref<512xf32, #tpu.memory_space<vmem>>, vector<16xf32>,
    %swap3A_358 = vector.shape_cast %swap3A_357 : vector<16xf32> to vector<16xf32>
    %swap3A_359 = vector.shape_cast %div3A_355 : vector<16xf32> to vector<16xf32>
    tpu.vector_store %arg12[%swap3A_356], %swap3A_359 {strides = array<i32>} : memref<512xf32, #tpu.memory_space<vmem>>, vector<16xf32>,
    %sub3A_360 = arith.constant 1.000000e+00 : f32
    %sub3A_361 = vector.broadcast %sub3A_360 : f32 to vector<16xf32>
    %sub3A_362 = arith.subf %sub3A_361, %div3A_355 : vector<16xf32>
    %swap3A_363 = arith.constant 112 : index
    %swap3A_364 = tpu.vector_load %arg13[%swap3A_363] {strides = array<i32>} : memref<512xf32, #tpu.memory_space<vmem>>, vector<16xf32>,
    %swap3A_365 = vector.shape_cast %swap3A_364 : vector<16xf32> to vector<16xf32>
    %swap3A_366 = vector.shape_cast %sub3A_362 : vector<16xf32> to vector<16xf32>
    tpu.vector_store %arg13[%swap3A_363], %swap3A_366 {strides = array<i32>} : memref<512xf32, #tpu.memory_space<vmem>>, vector<16xf32>,
    %get3A_367 = arith.constant 128 : index
    %get3A_368 = tpu.vector_load %arg10[%get3A_367] {strides = array<i32>} : memref<512xf32, #tpu.memory_space<vmem>>, vector<16xf32>,
    %get3A_369 = vector.shape_cast %get3A_368 : vector<16xf32> to vector<16xf32>
    %get3A_370 = arith.constant 128 : index
    %get3A_371 = tpu.vector_load %arg11[%get3A_370] {strides = array<i32>} : memref<512xf32, #tpu.memory_space<vmem>>, vector<16xf32>,
    %get3A_372 = vector.shape_cast %get3A_371 : vector<16xf32> to vector<16xf32>
    %add3A_373 = arith.addf %get3A_369, %get3A_372 : vector<16xf32>
    %neg3A_374 = arith.constant 0.000000e+00 : f32
    %neg3A_375 = vector.broadcast %neg3A_374 : f32 to vector<16xf32>
    %neg3A_376 = arith.subf %neg3A_375, %add3A_373 : vector<16xf32>
    %exp3A_377 = math.exp %neg3A_376 : vector<16xf32>
    %add3A_378 = arith.constant 1.000000e+00 : f32
    %add3A_379 = vector.broadcast %add3A_378 : f32 to vector<16xf32>
    %add3A_380 = arith.addf %add3A_379, %exp3A_377 : vector<16xf32>
    %div3A_381 = arith.constant 1.000000e+00 : f32
    %div3A_382 = vector.broadcast %div3A_381 : f32 to vector<16xf32>
    %div3A_383 = arith.divf %div3A_382, %add3A_380 : vector<16xf32>
    %swap3A_384 = arith.constant 128 : index
    %swap3A_385 = tpu.vector_load %arg12[%swap3A_384] {strides = array<i32>} : memref<512xf32, #tpu.memory_space<vmem>>, vector<16xf32>,
    %swap3A_386 = vector.shape_cast %swap3A_385 : vector<16xf32> to vector<16xf32>
    %swap3A_387 = vector.shape_cast %div3A_383 : vector<16xf32> to vector<16xf32>
    tpu.vector_store %arg12[%swap3A_384], %swap3A_387 {strides = array<i32>} : memref<512xf32, #tpu.memory_space<vmem>>, vector<16xf32>,
    %sub3A_388 = arith.constant 1.000000e+00 : f32
    %sub3A_389 = vector.broadcast %sub3A_388 : f32 to vector<16xf32>
    %sub3A_390 = arith.subf %sub3A_389, %div3A_383 : vector<16xf32>
    %swap3A_391 = arith.constant 128 : index
    %swap3A_392 = tpu.vector_load %arg13[%swap3A_391] {strides = array<i32>} : memref<512xf32, #tpu.memory_space<vmem>>, vector<16xf32>,
    %swap3A_393 = vector.shape_cast %swap3A_392 : vector<16xf32> to vector<16xf32>
    %swap3A_394 = vector.shape_cast %sub3A_390 : vector<16xf32> to vector<16xf32>
    tpu.vector_store %arg13[%swap3A_391], %swap3A_394 {strides = array<i32>} : memref<512xf32, #tpu.memory_space<vmem>>, vector<16xf32>,
    %get3A_395 = arith.constant 144 : index
    %get3A_396 = tpu.vector_load %arg10[%get3A_395] {strides = array<i32>} : memref<512xf32, #tpu.memory_space<vmem>>, vector<16xf32>,
    %get3A_397 = vector.shape_cast %get3A_396 : vector<16xf32> to vector<16xf32>
    %get3A_398 = arith.constant 144 : index
    %get3A_399 = tpu.vector_load %arg11[%get3A_398] {strides = array<i32>} : memref<512xf32, #tpu.memory_space<vmem>>, vector<16xf32>,
    %get3A_400 = vector.shape_cast %get3A_399 : vector<16xf32> to vector<16xf32>
    %add3A_401 = arith.addf %get3A_397, %get3A_400 : vector<16xf32>
    %neg3A_402 = arith.constant 0.000000e+00 : f32
    %neg3A_403 = vector.broadcast %neg3A_402 : f32 to vector<16xf32>
    %neg3A_404 = arith.subf %neg3A_403, %add3A_401 : vector<16xf32>
    %exp3A_405 = math.exp %neg3A_404 : vector<16xf32>
    %add3A_406 = arith.constant 1.000000e+00 : f32
    %add3A_407 = vector.broadcast %add3A_406 : f32 to vector<16xf32>
    %add3A_408 = arith.addf %add3A_407, %exp3A_405 : vector<16xf32>
    %div3A_409 = arith.constant 1.000000e+00 : f32
    %div3A_410 = vector.broadcast %div3A_409 : f32 to vector<16xf32>
    %div3A_411 = arith.divf %div3A_410, %add3A_408 : vector<16xf32>
    %swap3A_412 = arith.constant 144 : index
    %swap3A_413 = tpu.vector_load %arg12[%swap3A_412] {strides = array<i32>} : memref<512xf32, #tpu.memory_space<vmem>>, vector<16xf32>,
    %swap3A_414 = vector.shape_cast %swap3A_413 : vector<16xf32> to vector<16xf32>
    %swap3A_415 = vector.shape_cast %div3A_411 : vector<16xf32> to vector<16xf32>
    tpu.vector_store %arg12[%swap3A_412], %swap3A_415 {strides = array<i32>} : memref<512xf32, #tpu.memory_space<vmem>>, vector<16xf32>,
    %sub3A_416 = arith.constant 1.000000e+00 : f32
    %sub3A_417 = vector.broadcast %sub3A_416 : f32 to vector<16xf32>
    %sub3A_418 = arith.subf %sub3A_417, %div3A_411 : vector<16xf32>
    %swap3A_419 = arith.constant 144 : index
    %swap3A_420 = tpu.vector_load %arg13[%swap3A_419] {strides = array<i32>} : memref<512xf32, #tpu.memory_space<vmem>>, vector<16xf32>,
    %swap3A_421 = vector.shape_cast %swap3A_420 : vector<16xf32> to vector<16xf32>
    %swap3A_422 = vector.shape_cast %sub3A_418 : vector<16xf32> to vector<16xf32>
    tpu.vector_store %arg13[%swap3A_419], %swap3A_422 {strides = array<i32>} : memref<512xf32, #tpu.memory_space<vmem>>, vector<16xf32>,
    %get3A_423 = arith.constant 160 : index
    %get3A_424 = tpu.vector_load %arg10[%get3A_423] {strides = array<i32>} : memref<512xf32, #tpu.memory_space<vmem>>, vector<16xf32>,
    %get3A_425 = vector.shape_cast %get3A_424 : vector<16xf32> to vector<16xf32>
    %get3A_426 = arith.constant 160 : index
    %get3A_427 = tpu.vector_load %arg11[%get3A_426] {strides = array<i32>} : memref<512xf32, #tpu.memory_space<vmem>>, vector<16xf32>,
    %get3A_428 = vector.shape_cast %get3A_427 : vector<16xf32> to vector<16xf32>
    %add3A_429 = arith.addf %get3A_425, %get3A_428 : vector<16xf32>
    %neg3A_430 = arith.constant 0.000000e+00 : f32
    %neg3A_431 = vector.broadcast %neg3A_430 : f32 to vector<16xf32>
    %neg3A_432 = arith.subf %neg3A_431, %add3A_429 : vector<16xf32>
    %exp3A_433 = math.exp %neg3A_432 : vector<16xf32>
    %add3A_434 = arith.constant 1.000000e+00 : f32
    %add3A_435 = vector.broadcast %add3A_434 : f32 to vector<16xf32>
    %add3A_436 = arith.addf %add3A_435, %exp3A_433 : vector<16xf32>
    %div3A_437 = arith.constant 1.000000e+00 : f32
    %div3A_438 = vector.broadcast %div3A_437 : f32 to vector<16xf32>
    %div3A_439 = arith.divf %div3A_438, %add3A_436 : vector<16xf32>
    %swap3A_440 = arith.constant 160 : index
    %swap3A_441 = tpu.vector_load %arg12[%swap3A_440] {strides = array<i32>} : memref<512xf32, #tpu.memory_space<vmem>>, vector<16xf32>,
    %swap3A_442 = vector.shape_cast %swap3A_441 : vector<16xf32> to vector<16xf32>
    %swap3A_443 = vector.shape_cast %div3A_439 : vector<16xf32> to vector<16xf32>
    tpu.vector_store %arg12[%swap3A_440], %swap3A_443 {strides = array<i32>} : memref<512xf32, #tpu.memory_space<vmem>>, vector<16xf32>,
    %sub3A_444 = arith.constant 1.000000e+00 : f32
    %sub3A_445 = vector.broadcast %sub3A_444 : f32 to vector<16xf32>
    %sub3A_446 = arith.subf %sub3A_445, %div3A_439 : vector<16xf32>
    %swap3A_447 = arith.constant 160 : index
    %swap3A_448 = tpu.vector_load %arg13[%swap3A_447] {strides = array<i32>} : memref<512xf32, #tpu.memory_space<vmem>>, vector<16xf32>,
    %swap3A_449 = vector.shape_cast %swap3A_448 : vector<16xf32> to vector<16xf32>
    %swap3A_450 = vector.shape_cast %sub3A_446 : vector<16xf32> to vector<16xf32>
    tpu.vector_store %arg13[%swap3A_447], %swap3A_450 {strides = array<i32>} : memref<512xf32, #tpu.memory_space<vmem>>, vector<16xf32>,
    %get3A_451 = arith.constant 176 : index
    %get3A_452 = tpu.vector_load %arg10[%get3A_451] {strides = array<i32>} : memref<512xf32, #tpu.memory_space<vmem>>, vector<16xf32>,
    %get3A_453 = vector.shape_cast %get3A_452 : vector<16xf32> to vector<16xf32>
    %get3A_454 = arith.constant 176 : index
    %get3A_455 = tpu.vector_load %arg11[%get3A_454] {strides = array<i32>} : memref<512xf32, #tpu.memory_space<vmem>>, vector<16xf32>,
    %get3A_456 = vector.shape_cast %get3A_455 : vector<16xf32> to vector<16xf32>
    %add3A_457 = arith.addf %get3A_453, %get3A_456 : vector<16xf32>
    %neg3A_458 = arith.constant 0.000000e+00 : f32
    %neg3A_459 = vector.broadcast %neg3A_458 : f32 to vector<16xf32>
    %neg3A_460 = arith.subf %neg3A_459, %add3A_457 : vector<16xf32>
    %exp3A_461 = math.exp %neg3A_460 : vector<16xf32>
    %add3A_462 = arith.constant 1.000000e+00 : f32
    %add3A_463 = vector.broadcast %add3A_462 : f32 to vector<16xf32>
    %add3A_464 = arith.addf %add3A_463, %exp3A_461 : vector<16xf32>
    %div3A_465 = arith.constant 1.000000e+00 : f32
    %div3A_466 = vector.broadcast %div3A_465 : f32 to vector<16xf32>
    %div3A_467 = arith.divf %div3A_466, %add3A_464 : vector<16xf32>
    %swap3A_468 = arith.constant 176 : index
    %swap3A_469 = tpu.vector_load %arg12[%swap3A_468] {strides = array<i32>} : memref<512xf32, #tpu.memory_space<vmem>>, vector<16xf32>,
    %swap3A_470 = vector.shape_cast %swap3A_469 : vector<16xf32> to vector<16xf32>
    %swap3A_471 = vector.shape_cast %div3A_467 : vector<16xf32> to vector<16xf32>
    tpu.vector_store %arg12[%swap3A_468], %swap3A_471 {strides = array<i32>} : memref<512xf32, #tpu.memory_space<vmem>>, vector<16xf32>,
    %sub3A_472 = arith.constant 1.000000e+00 : f32
    %sub3A_473 = vector.broadcast %sub3A_472 : f32 to vector<16xf32>
    %sub3A_474 = arith.subf %sub3A_473, %div3A_467 : vector<16xf32>
    %swap3A_475 = arith.constant 176 : index
    %swap3A_476 = tpu.vector_load %arg13[%swap3A_475] {strides = array<i32>} : memref<512xf32, #tpu.memory_space<vmem>>, vector<16xf32>,
    %swap3A_477 = vector.shape_cast %swap3A_476 : vector<16xf32> to vector<16xf32>
    %swap3A_478 = vector.shape_cast %sub3A_474 : vector<16xf32> to vector<16xf32>
    tpu.vector_store %arg13[%swap3A_475], %swap3A_478 {strides = array<i32>} : memref<512xf32, #tpu.memory_space<vmem>>, vector<16xf32>,
    %get3A_479 = arith.constant 192 : index
    %get3A_480 = tpu.vector_load %arg10[%get3A_479] {strides = array<i32>} : memref<512xf32, #tpu.memory_space<vmem>>, vector<16xf32>,
    %get3A_481 = vector.shape_cast %get3A_480 : vector<16xf32> to vector<16xf32>
    %get3A_482 = arith.constant 192 : index
    %get3A_483 = tpu.vector_load %arg11[%get3A_482] {strides = array<i32>} : memref<512xf32, #tpu.memory_space<vmem>>, vector<16xf32>,
    %get3A_484 = vector.shape_cast %get3A_483 : vector<16xf32> to vector<16xf32>
    %add3A_485 = arith.addf %get3A_481, %get3A_484 : vector<16xf32>
    %neg3A_486 = arith.constant 0.000000e+00 : f32
    %neg3A_487 = vector.broadcast %neg3A_486 : f32 to vector<16xf32>
    %neg3A_488 = arith.subf %neg3A_487, %add3A_485 : vector<16xf32>
    %exp3A_489 = math.exp %neg3A_488 : vector<16xf32>
    %add3A_490 = arith.constant 1.000000e+00 : f32
    %add3A_491 = vector.broadcast %add3A_490 : f32 to vector<16xf32>
    %add3A_492 = arith.addf %add3A_491, %exp3A_489 : vector<16xf32>
    %div3A_493 = arith.constant 1.000000e+00 : f32
    %div3A_494 = vector.broadcast %div3A_493 : f32 to vector<16xf32>
    %div3A_495 = arith.divf %div3A_494, %add3A_492 : vector<16xf32>
    %swap3A_496 = arith.constant 192 : index
    %swap3A_497 = tpu.vector_load %arg12[%swap3A_496] {strides = array<i32>} : memref<512xf32, #tpu.memory_space<vmem>>, vector<16xf32>,
    %swap3A_498 = vector.shape_cast %swap3A_497 : vector<16xf32> to vector<16xf32>
    %swap3A_499 = vector.shape_cast %div3A_495 : vector<16xf32> to vector<16xf32>
    tpu.vector_store %arg12[%swap3A_496], %swap3A_499 {strides = array<i32>} : memref<512xf32, #tpu.memory_space<vmem>>, vector<16xf32>,
    %sub3A_500 = arith.constant 1.000000e+00 : f32
    %sub3A_501 = vector.broadcast %sub3A_500 : f32 to vector<16xf32>
    %sub3A_502 = arith.subf %sub3A_501, %div3A_495 : vector<16xf32>
    %swap3A_503 = arith.constant 192 : index
    %swap3A_504 = tpu.vector_load %arg13[%swap3A_503] {strides = array<i32>} : memref<512xf32, #tpu.memory_space<vmem>>, vector<16xf32>,
    %swap3A_505 = vector.shape_cast %swap3A_504 : vector<16xf32> to vector<16xf32>
    %swap3A_506 = vector.shape_cast %sub3A_502 : vector<16xf32> to vector<16xf32>
    tpu.vector_store %arg13[%swap3A_503], %swap3A_506 {strides = array<i32>} : memref<512xf32, #tpu.memory_space<vmem>>, vector<16xf32>,
    %get3A_507 = arith.constant 208 : index
    %get3A_508 = tpu.vector_load %arg10[%get3A_507] {strides = array<i32>} : memref<512xf32, #tpu.memory_space<vmem>>, vector<16xf32>,
    %get3A_509 = vector.shape_cast %get3A_508 : vector<16xf32> to vector<16xf32>
    %get3A_510 = arith.constant 208 : index
    %get3A_511 = tpu.vector_load %arg11[%get3A_510] {strides = array<i32>} : memref<512xf32, #tpu.memory_space<vmem>>, vector<16xf32>,
    %get3A_512 = vector.shape_cast %get3A_511 : vector<16xf32> to vector<16xf32>
    %add3A_513 = arith.addf %get3A_509, %get3A_512 : vector<16xf32>
    %neg3A_514 = arith.constant 0.000000e+00 : f32
    %neg3A_515 = vector.broadcast %neg3A_514 : f32 to vector<16xf32>
    %neg3A_516 = arith.subf %neg3A_515, %add3A_513 : vector<16xf32>
    %exp3A_517 = math.exp %neg3A_516 : vector<16xf32>
    %add3A_518 = arith.constant 1.000000e+00 : f32
    %add3A_519 = vector.broadcast %add3A_518 : f32 to vector<16xf32>
    %add3A_520 = arith.addf %add3A_519, %exp3A_517 : vector<16xf32>
    %div3A_521 = arith.constant 1.000000e+00 : f32
    %div3A_522 = vector.broadcast %div3A_521 : f32 to vector<16xf32>
    %div3A_523 = arith.divf %div3A_522, %add3A_520 : vector<16xf32>
    %swap3A_524 = arith.constant 208 : index
    %swap3A_525 = tpu.vector_load %arg12[%swap3A_524] {strides = array<i32>} : memref<512xf32, #tpu.memory_space<vmem>>, vector<16xf32>,
    %swap3A_526 = vector.shape_cast %swap3A_525 : vector<16xf32> to vector<16xf32>
    %swap3A_527 = vector.shape_cast %div3A_523 : vector<16xf32> to vector<16xf32>
    tpu.vector_store %arg12[%swap3A_524], %swap3A_527 {strides = array<i32>} : memref<512xf32, #tpu.memory_space<vmem>>, vector<16xf32>,
    %sub3A_528 = arith.constant 1.000000e+00 : f32
    %sub3A_529 = vector.broadcast %sub3A_528 : f32 to vector<16xf32>
    %sub3A_530 = arith.subf %sub3A_529, %div3A_523 : vector<16xf32>
    %swap3A_531 = arith.constant 208 : index
    %swap3A_532 = tpu.vector_load %arg13[%swap3A_531] {strides = array<i32>} : memref<512xf32, #tpu.memory_space<vmem>>, vector<16xf32>,
    %swap3A_533 = vector.shape_cast %swap3A_532 : vector<16xf32> to vector<16xf32>
    %swap3A_534 = vector.shape_cast %sub3A_530 : vector<16xf32> to vector<16xf32>
    tpu.vector_store %arg13[%swap3A_531], %swap3A_534 {strides = array<i32>} : memref<512xf32, #tpu.memory_space<vmem>>, vector<16xf32>,
    %get3A_535 = arith.constant 224 : index
    %get3A_536 = tpu.vector_load %arg10[%get3A_535] {strides = array<i32>} : memref<512xf32, #tpu.memory_space<vmem>>, vector<16xf32>,
    %get3A_537 = vector.shape_cast %get3A_536 : vector<16xf32> to vector<16xf32>
    %get3A_538 = arith.constant 224 : index
    %get3A_539 = tpu.vector_load %arg11[%get3A_538] {strides = array<i32>} : memref<512xf32, #tpu.memory_space<vmem>>, vector<16xf32>,
    %get3A_540 = vector.shape_cast %get3A_539 : vector<16xf32> to vector<16xf32>
    %add3A_541 = arith.addf %get3A_537, %get3A_540 : vector<16xf32>
    %neg3A_542 = arith.constant 0.000000e+00 : f32
    %neg3A_543 = vector.broadcast %neg3A_542 : f32 to vector<16xf32>
    %neg3A_544 = arith.subf %neg3A_543, %add3A_541 : vector<16xf32>
    %exp3A_545 = math.exp %neg3A_544 : vector<16xf32>
    %add3A_546 = arith.constant 1.000000e+00 : f32
    %add3A_547 = vector.broadcast %add3A_546 : f32 to vector<16xf32>
    %add3A_548 = arith.addf %add3A_547, %exp3A_545 : vector<16xf32>
    %div3A_549 = arith.constant 1.000000e+00 : f32
    %div3A_550 = vector.broadcast %div3A_549 : f32 to vector<16xf32>
    %div3A_551 = arith.divf %div3A_550, %add3A_548 : vector<16xf32>
    %swap3A_552 = arith.constant 224 : index
    %swap3A_553 = tpu.vector_load %arg12[%swap3A_552] {strides = array<i32>} : memref<512xf32, #tpu.memory_space<vmem>>, vector<16xf32>,
    %swap3A_554 = vector.shape_cast %swap3A_553 : vector<16xf32> to vector<16xf32>
    %swap3A_555 = vector.shape_cast %div3A_551 : vector<16xf32> to vector<16xf32>
    tpu.vector_store %arg12[%swap3A_552], %swap3A_555 {strides = array<i32>} : memref<512xf32, #tpu.memory_space<vmem>>, vector<16xf32>,
    %sub3A_556 = arith.constant 1.000000e+00 : f32
    %sub3A_557 = vector.broadcast %sub3A_556 : f32 to vector<16xf32>
    %sub3A_558 = arith.subf %sub3A_557, %div3A_551 : vector<16xf32>
    %swap3A_559 = arith.constant 224 : index
    %swap3A_560 = tpu.vector_load %arg13[%swap3A_559] {strides = array<i32>} : memref<512xf32, #tpu.memory_space<vmem>>, vector<16xf32>,
    %swap3A_561 = vector.shape_cast %swap3A_560 : vector<16xf32> to vector<16xf32>
    %swap3A_562 = vector.shape_cast %sub3A_558 : vector<16xf32> to vector<16xf32>
    tpu.vector_store %arg13[%swap3A_559], %swap3A_562 {strides = array<i32>} : memref<512xf32, #tpu.memory_space<vmem>>, vector<16xf32>,
    %get3A_563 = arith.constant 240 : index
    %get3A_564 = tpu.vector_load %arg10[%get3A_563] {strides = array<i32>} : memref<512xf32, #tpu.memory_space<vmem>>, vector<16xf32>,
    %get3A_565 = vector.shape_cast %get3A_564 : vector<16xf32> to vector<16xf32>
    %get3A_566 = arith.constant 240 : index
    %get3A_567 = tpu.vector_load %arg11[%get3A_566] {strides = array<i32>} : memref<512xf32, #tpu.memory_space<vmem>>, vector<16xf32>,
    %get3A_568 = vector.shape_cast %get3A_567 : vector<16xf32> to vector<16xf32>
    %add3A_569 = arith.addf %get3A_565, %get3A_568 : vector<16xf32>
    %neg3A_570 = arith.constant 0.000000e+00 : f32
    %neg3A_571 = vector.broadcast %neg3A_570 : f32 to vector<16xf32>
    %neg3A_572 = arith.subf %neg3A_571, %add3A_569 : vector<16xf32>
    %exp3A_573 = math.exp %neg3A_572 : vector<16xf32>
    %add3A_574 = arith.constant 1.000000e+00 : f32
    %add3A_575 = vector.broadcast %add3A_574 : f32 to vector<16xf32>
    %add3A_576 = arith.addf %add3A_575, %exp3A_573 : vector<16xf32>
    %div3A_577 = arith.constant 1.000000e+00 : f32
    %div3A_578 = vector.broadcast %div3A_577 : f32 to vector<16xf32>
    %div3A_579 = arith.divf %div3A_578, %add3A_576 : vector<16xf32>
    %swap3A_580 = arith.constant 240 : index
    %swap3A_581 = tpu.vector_load %arg12[%swap3A_580] {strides = array<i32>} : memref<512xf32, #tpu.memory_space<vmem>>, vector<16xf32>,
    %swap3A_582 = vector.shape_cast %swap3A_581 : vector<16xf32> to vector<16xf32>
    %swap3A_583 = vector.shape_cast %div3A_579 : vector<16xf32> to vector<16xf32>
    tpu.vector_store %arg12[%swap3A_580], %swap3A_583 {strides = array<i32>} : memref<512xf32, #tpu.memory_space<vmem>>, vector<16xf32>,
    %sub3A_584 = arith.constant 1.000000e+00 : f32
    %sub3A_585 = vector.broadcast %sub3A_584 : f32 to vector<16xf32>
    %sub3A_586 = arith.subf %sub3A_585, %div3A_579 : vector<16xf32>
    %swap3A_587 = arith.constant 240 : index
    %swap3A_588 = tpu.vector_load %arg13[%swap3A_587] {strides = array<i32>} : memref<512xf32, #tpu.memory_space<vmem>>, vector<16xf32>,
    %swap3A_589 = vector.shape_cast %swap3A_588 : vector<16xf32> to vector<16xf32>
    %swap3A_590 = vector.shape_cast %sub3A_586 : vector<16xf32> to vector<16xf32>
    tpu.vector_store %arg13[%swap3A_587], %swap3A_590 {strides = array<i32>} : memref<512xf32, #tpu.memory_space<vmem>>, vector<16xf32>,
    %get3A_591 = arith.constant 256 : index
    %get3A_592 = tpu.vector_load %arg10[%get3A_591] {strides = array<i32>} : memref<512xf32, #tpu.memory_space<vmem>>, vector<16xf32>,
    %get3A_593 = vector.shape_cast %get3A_592 : vector<16xf32> to vector<16xf32>
    %get3A_594 = arith.constant 256 : index
    %get3A_595 = tpu.vector_load %arg11[%get3A_594] {strides = array<i32>} : memref<512xf32, #tpu.memory_space<vmem>>, vector<16xf32>,
    %get3A_596 = vector.shape_cast %get3A_595 : vector<16xf32> to vector<16xf32>
    %add3A_597 = arith.addf %get3A_593, %get3A_596 : vector<16xf32>
    %neg3A_598 = arith.constant 0.000000e+00 : f32
    %neg3A_599 = vector.broadcast %neg3A_598 : f32 to vector<16xf32>
    %neg3A_600 = arith.subf %neg3A_599, %add3A_597 : vector<16xf32>
    %exp3A_601 = math.exp %neg3A_600 : vector<16xf32>
    %add3A_602 = arith.constant 1.000000e+00 : f32
    %add3A_603 = vector.broadcast %add3A_602 : f32 to vector<16xf32>
    %add3A_604 = arith.addf %add3A_603, %exp3A_601 : vector<16xf32>
    %div3A_605 = arith.constant 1.000000e+00 : f32
    %div3A_606 = vector.broadcast %div3A_605 : f32 to vector<16xf32>
    %div3A_607 = arith.divf %div3A_606, %add3A_604 : vector<16xf32>
    %swap3A_608 = arith.constant 256 : index
    %swap3A_609 = tpu.vector_load %arg12[%swap3A_608] {strides = array<i32>} : memref<512xf32, #tpu.memory_space<vmem>>, vector<16xf32>,
    %swap3A_610 = vector.shape_cast %swap3A_609 : vector<16xf32> to vector<16xf32>
    %swap3A_611 = vector.shape_cast %div3A_607 : vector<16xf32> to vector<16xf32>
    tpu.vector_store %arg12[%swap3A_608], %swap3A_611 {strides = array<i32>} : memref<512xf32, #tpu.memory_space<vmem>>, vector<16xf32>,
    %sub3A_612 = arith.constant 1.000000e+00 : f32
    %sub3A_613 = vector.broadcast %sub3A_612 : f32 to vector<16xf32>
    %sub3A_614 = arith.subf %sub3A_613, %div3A_607 : vector<16xf32>
    %swap3A_615 = arith.constant 256 : index
    %swap3A_616 = tpu.vector_load %arg13[%swap3A_615] {strides = array<i32>} : memref<512xf32, #tpu.memory_space<vmem>>, vector<16xf32>,
    %swap3A_617 = vector.shape_cast %swap3A_616 : vector<16xf32> to vector<16xf32>
    %swap3A_618 = vector.shape_cast %sub3A_614 : vector<16xf32> to vector<16xf32>
    tpu.vector_store %arg13[%swap3A_615], %swap3A_618 {strides = array<i32>} : memref<512xf32, #tpu.memory_space<vmem>>, vector<16xf32>,
    %get3A_619 = arith.constant 272 : index
    %get3A_620 = tpu.vector_load %arg10[%get3A_619] {strides = array<i32>} : memref<512xf32, #tpu.memory_space<vmem>>, vector<16xf32>,
    %get3A_621 = vector.shape_cast %get3A_620 : vector<16xf32> to vector<16xf32>
    %get3A_622 = arith.constant 272 : index
    %get3A_623 = tpu.vector_load %arg11[%get3A_622] {strides = array<i32>} : memref<512xf32, #tpu.memory_space<vmem>>, vector<16xf32>,
    %get3A_624 = vector.shape_cast %get3A_623 : vector<16xf32> to vector<16xf32>
    %add3A_625 = arith.addf %get3A_621, %get3A_624 : vector<16xf32>
    %neg3A_626 = arith.constant 0.000000e+00 : f32
    %neg3A_627 = vector.broadcast %neg3A_626 : f32 to vector<16xf32>
    %neg3A_628 = arith.subf %neg3A_627, %add3A_625 : vector<16xf32>
    %exp3A_629 = math.exp %neg3A_628 : vector<16xf32>
    %add3A_630 = arith.constant 1.000000e+00 : f32
    %add3A_631 = vector.broadcast %add3A_630 : f32 to vector<16xf32>
    %add3A_632 = arith.addf %add3A_631, %exp3A_629 : vector<16xf32>
    %div3A_633 = arith.constant 1.000000e+00 : f32
    %div3A_634 = vector.broadcast %div3A_633 : f32 to vector<16xf32>
    %div3A_635 = arith.divf %div3A_634, %add3A_632 : vector<16xf32>
    %swap3A_636 = arith.constant 272 : index
    %swap3A_637 = tpu.vector_load %arg12[%swap3A_636] {strides = array<i32>} : memref<512xf32, #tpu.memory_space<vmem>>, vector<16xf32>,
    %swap3A_638 = vector.shape_cast %swap3A_637 : vector<16xf32> to vector<16xf32>
    %swap3A_639 = vector.shape_cast %div3A_635 : vector<16xf32> to vector<16xf32>
    tpu.vector_store %arg12[%swap3A_636], %swap3A_639 {strides = array<i32>} : memref<512xf32, #tpu.memory_space<vmem>>, vector<16xf32>,
    %sub3A_640 = arith.constant 1.000000e+00 : f32
    %sub3A_641 = vector.broadcast %sub3A_640 : f32 to vector<16xf32>
    %sub3A_642 = arith.subf %sub3A_641, %div3A_635 : vector<16xf32>
    %swap3A_643 = arith.constant 272 : index
    %swap3A_644 = tpu.vector_load %arg13[%swap3A_643] {strides = array<i32>} : memref<512xf32, #tpu.memory_space<vmem>>, vector<16xf32>,
    %swap3A_645 = vector.shape_cast %swap3A_644 : vector<16xf32> to vector<16xf32>
    %swap3A_646 = vector.shape_cast %sub3A_642 : vector<16xf32> to vector<16xf32>
    tpu.vector_store %arg13[%swap3A_643], %swap3A_646 {strides = array<i32>} : memref<512xf32, #tpu.memory_space<vmem>>, vector<16xf32>,
    %get3A_647 = arith.constant 288 : index
    %get3A_648 = tpu.vector_load %arg10[%get3A_647] {strides = array<i32>} : memref<512xf32, #tpu.memory_space<vmem>>, vector<16xf32>,
    %get3A_649 = vector.shape_cast %get3A_648 : vector<16xf32> to vector<16xf32>
    %get3A_650 = arith.constant 288 : index
    %get3A_651 = tpu.vector_load %arg11[%get3A_650] {strides = array<i32>} : memref<512xf32, #tpu.memory_space<vmem>>, vector<16xf32>,
    %get3A_652 = vector.shape_cast %get3A_651 : vector<16xf32> to vector<16xf32>
    %add3A_653 = arith.addf %get3A_649, %get3A_652 : vector<16xf32>
    %neg3A_654 = arith.constant 0.000000e+00 : f32
    %neg3A_655 = vector.broadcast %neg3A_654 : f32 to vector<16xf32>
    %neg3A_656 = arith.subf %neg3A_655, %add3A_653 : vector<16xf32>
    %exp3A_657 = math.exp %neg3A_656 : vector<16xf32>
    %add3A_658 = arith.constant 1.000000e+00 : f32
    %add3A_659 = vector.broadcast %add3A_658 : f32 to vector<16xf32>
    %add3A_660 = arith.addf %add3A_659, %exp3A_657 : vector<16xf32>
    %div3A_661 = arith.constant 1.000000e+00 : f32
    %div3A_662 = vector.broadcast %div3A_661 : f32 to vector<16xf32>
    %div3A_663 = arith.divf %div3A_662, %add3A_660 : vector<16xf32>
    %swap3A_664 = arith.constant 288 : index
    %swap3A_665 = tpu.vector_load %arg12[%swap3A_664] {strides = array<i32>} : memref<512xf32, #tpu.memory_space<vmem>>, vector<16xf32>,
    %swap3A_666 = vector.shape_cast %swap3A_665 : vector<16xf32> to vector<16xf32>
    %swap3A_667 = vector.shape_cast %div3A_663 : vector<16xf32> to vector<16xf32>
    tpu.vector_store %arg12[%swap3A_664], %swap3A_667 {strides = array<i32>} : memref<512xf32, #tpu.memory_space<vmem>>, vector<16xf32>,
    %sub3A_668 = arith.constant 1.000000e+00 : f32
    %sub3A_669 = vector.broadcast %sub3A_668 : f32 to vector<16xf32>
    %sub3A_670 = arith.subf %sub3A_669, %div3A_663 : vector<16xf32>
    %swap3A_671 = arith.constant 288 : index
    %swap3A_672 = tpu.vector_load %arg13[%swap3A_671] {strides = array<i32>} : memref<512xf32, #tpu.memory_space<vmem>>, vector<16xf32>,
    %swap3A_673 = vector.shape_cast %swap3A_672 : vector<16xf32> to vector<16xf32>
    %swap3A_674 = vector.shape_cast %sub3A_670 : vector<16xf32> to vector<16xf32>
    tpu.vector_store %arg13[%swap3A_671], %swap3A_674 {strides = array<i32>} : memref<512xf32, #tpu.memory_space<vmem>>, vector<16xf32>,
    %get3A_675 = arith.constant 304 : index
    %get3A_676 = tpu.vector_load %arg10[%get3A_675] {strides = array<i32>} : memref<512xf32, #tpu.memory_space<vmem>>, vector<16xf32>,
    %get3A_677 = vector.shape_cast %get3A_676 : vector<16xf32> to vector<16xf32>
    %get3A_678 = arith.constant 304 : index
    %get3A_679 = tpu.vector_load %arg11[%get3A_678] {strides = array<i32>} : memref<512xf32, #tpu.memory_space<vmem>>, vector<16xf32>,
    %get3A_680 = vector.shape_cast %get3A_679 : vector<16xf32> to vector<16xf32>
    %add3A_681 = arith.addf %get3A_677, %get3A_680 : vector<16xf32>
    %neg3A_682 = arith.constant 0.000000e+00 : f32
    %neg3A_683 = vector.broadcast %neg3A_682 : f32 to vector<16xf32>
    %neg3A_684 = arith.subf %neg3A_683, %add3A_681 : vector<16xf32>
    %exp3A_685 = math.exp %neg3A_684 : vector<16xf32>
    %add3A_686 = arith.constant 1.000000e+00 : f32
    %add3A_687 = vector.broadcast %add3A_686 : f32 to vector<16xf32>
    %add3A_688 = arith.addf %add3A_687, %exp3A_685 : vector<16xf32>
    %div3A_689 = arith.constant 1.000000e+00 : f32
    %div3A_690 = vector.broadcast %div3A_689 : f32 to vector<16xf32>
    %div3A_691 = arith.divf %div3A_690, %add3A_688 : vector<16xf32>
    %swap3A_692 = arith.constant 304 : index
    %swap3A_693 = tpu.vector_load %arg12[%swap3A_692] {strides = array<i32>} : memref<512xf32, #tpu.memory_space<vmem>>, vector<16xf32>,
    %swap3A_694 = vector.shape_cast %swap3A_693 : vector<16xf32> to vector<16xf32>
    %swap3A_695 = vector.shape_cast %div3A_691 : vector<16xf32> to vector<16xf32>
    tpu.vector_store %arg12[%swap3A_692], %swap3A_695 {strides = array<i32>} : memref<512xf32, #tpu.memory_space<vmem>>, vector<16xf32>,
    %sub3A_696 = arith.constant 1.000000e+00 : f32
    %sub3A_697 = vector.broadcast %sub3A_696 : f32 to vector<16xf32>
    %sub3A_698 = arith.subf %sub3A_697, %div3A_691 : vector<16xf32>
    %swap3A_699 = arith.constant 304 : index
    %swap3A_700 = tpu.vector_load %arg13[%swap3A_699] {strides = array<i32>} : memref<512xf32, #tpu.memory_space<vmem>>, vector<16xf32>,
    %swap3A_701 = vector.shape_cast %swap3A_700 : vector<16xf32> to vector<16xf32>
    %swap3A_702 = vector.shape_cast %sub3A_698 : vector<16xf32> to vector<16xf32>
    tpu.vector_store %arg13[%swap3A_699], %swap3A_702 {strides = array<i32>} : memref<512xf32, #tpu.memory_space<vmem>>, vector<16xf32>,
    %get3A_703 = arith.constant 320 : index
    %get3A_704 = tpu.vector_load %arg10[%get3A_703] {strides = array<i32>} : memref<512xf32, #tpu.memory_space<vmem>>, vector<16xf32>,
    %get3A_705 = vector.shape_cast %get3A_704 : vector<16xf32> to vector<16xf32>
    %get3A_706 = arith.constant 320 : index
    %get3A_707 = tpu.vector_load %arg11[%get3A_706] {strides = array<i32>} : memref<512xf32, #tpu.memory_space<vmem>>, vector<16xf32>,
    %get3A_708 = vector.shape_cast %get3A_707 : vector<16xf32> to vector<16xf32>
    %add3A_709 = arith.addf %get3A_705, %get3A_708 : vector<16xf32>
    %neg3A_710 = arith.constant 0.000000e+00 : f32
    %neg3A_711 = vector.broadcast %neg3A_710 : f32 to vector<16xf32>
    %neg3A_712 = arith.subf %neg3A_711, %add3A_709 : vector<16xf32>
    %exp3A_713 = math.exp %neg3A_712 : vector<16xf32>
    %add3A_714 = arith.constant 1.000000e+00 : f32
    %add3A_715 = vector.broadcast %add3A_714 : f32 to vector<16xf32>
    %add3A_716 = arith.addf %add3A_715, %exp3A_713 : vector<16xf32>
    %div3A_717 = arith.constant 1.000000e+00 : f32
    %div3A_718 = vector.broadcast %div3A_717 : f32 to vector<16xf32>
    %div3A_719 = arith.divf %div3A_718, %add3A_716 : vector<16xf32>
    %swap3A_720 = arith.constant 320 : index
    %swap3A_721 = tpu.vector_load %arg12[%swap3A_720] {strides = array<i32>} : memref<512xf32, #tpu.memory_space<vmem>>, vector<16xf32>,
    %swap3A_722 = vector.shape_cast %swap3A_721 : vector<16xf32> to vector<16xf32>
    %swap3A_723 = vector.shape_cast %div3A_719 : vector<16xf32> to vector<16xf32>
    tpu.vector_store %arg12[%swap3A_720], %swap3A_723 {strides = array<i32>} : memref<512xf32, #tpu.memory_space<vmem>>, vector<16xf32>,
    %sub3A_724 = arith.constant 1.000000e+00 : f32
    %sub3A_725 = vector.broadcast %sub3A_724 : f32 to vector<16xf32>
    %sub3A_726 = arith.subf %sub3A_725, %div3A_719 : vector<16xf32>
    %swap3A_727 = arith.constant 320 : index
    %swap3A_728 = tpu.vector_load %arg13[%swap3A_727] {strides = array<i32>} : memref<512xf32, #tpu.memory_space<vmem>>, vector<16xf32>,
    %swap3A_729 = vector.shape_cast %swap3A_728 : vector<16xf32> to vector<16xf32>
    %swap3A_730 = vector.shape_cast %sub3A_726 : vector<16xf32> to vector<16xf32>
    tpu.vector_store %arg13[%swap3A_727], %swap3A_730 {strides = array<i32>} : memref<512xf32, #tpu.memory_space<vmem>>, vector<16xf32>,
    %get3A_731 = arith.constant 336 : index
    %get3A_732 = tpu.vector_load %arg10[%get3A_731] {strides = array<i32>} : memref<512xf32, #tpu.memory_space<vmem>>, vector<16xf32>,
    %get3A_733 = vector.shape_cast %get3A_732 : vector<16xf32> to vector<16xf32>
    %get3A_734 = arith.constant 336 : index
    %get3A_735 = tpu.vector_load %arg11[%get3A_734] {strides = array<i32>} : memref<512xf32, #tpu.memory_space<vmem>>, vector<16xf32>,
    %get3A_736 = vector.shape_cast %get3A_735 : vector<16xf32> to vector<16xf32>
    %add3A_737 = arith.addf %get3A_733, %get3A_736 : vector<16xf32>
    %neg3A_738 = arith.constant 0.000000e+00 : f32
    %neg3A_739 = vector.broadcast %neg3A_738 : f32 to vector<16xf32>
    %neg3A_740 = arith.subf %neg3A_739, %add3A_737 : vector<16xf32>
    %exp3A_741 = math.exp %neg3A_740 : vector<16xf32>
    %add3A_742 = arith.constant 1.000000e+00 : f32
    %add3A_743 = vector.broadcast %add3A_742 : f32 to vector<16xf32>
    %add3A_744 = arith.addf %add3A_743, %exp3A_741 : vector<16xf32>
    %div3A_745 = arith.constant 1.000000e+00 : f32
    %div3A_746 = vector.broadcast %div3A_745 : f32 to vector<16xf32>
    %div3A_747 = arith.divf %div3A_746, %add3A_744 : vector<16xf32>
    %swap3A_748 = arith.constant 336 : index
    %swap3A_749 = tpu.vector_load %arg12[%swap3A_748] {strides = array<i32>} : memref<512xf32, #tpu.memory_space<vmem>>, vector<16xf32>,
    %swap3A_750 = vector.shape_cast %swap3A_749 : vector<16xf32> to vector<16xf32>
    %swap3A_751 = vector.shape_cast %div3A_747 : vector<16xf32> to vector<16xf32>
    tpu.vector_store %arg12[%swap3A_748], %swap3A_751 {strides = array<i32>} : memref<512xf32, #tpu.memory_space<vmem>>, vector<16xf32>,
    %sub3A_752 = arith.constant 1.000000e+00 : f32
    %sub3A_753 = vector.broadcast %sub3A_752 : f32 to vector<16xf32>
    %sub3A_754 = arith.subf %sub3A_753, %div3A_747 : vector<16xf32>
    %swap3A_755 = arith.constant 336 : index
    %swap3A_756 = tpu.vector_load %arg13[%swap3A_755] {strides = array<i32>} : memref<512xf32, #tpu.memory_space<vmem>>, vector<16xf32>,
    %swap3A_757 = vector.shape_cast %swap3A_756 : vector<16xf32> to vector<16xf32>
    %swap3A_758 = vector.shape_cast %sub3A_754 : vector<16xf32> to vector<16xf32>
    tpu.vector_store %arg13[%swap3A_755], %swap3A_758 {strides = array<i32>} : memref<512xf32, #tpu.memory_space<vmem>>, vector<16xf32>,
    %get3A_759 = arith.constant 352 : index
    %get3A_760 = tpu.vector_load %arg10[%get3A_759] {strides = array<i32>} : memref<512xf32, #tpu.memory_space<vmem>>, vector<16xf32>,
    %get3A_761 = vector.shape_cast %get3A_760 : vector<16xf32> to vector<16xf32>
    %get3A_762 = arith.constant 352 : index
    %get3A_763 = tpu.vector_load %arg11[%get3A_762] {strides = array<i32>} : memref<512xf32, #tpu.memory_space<vmem>>, vector<16xf32>,
    %get3A_764 = vector.shape_cast %get3A_763 : vector<16xf32> to vector<16xf32>
    %add3A_765 = arith.addf %get3A_761, %get3A_764 : vector<16xf32>
    %neg3A_766 = arith.constant 0.000000e+00 : f32
    %neg3A_767 = vector.broadcast %neg3A_766 : f32 to vector<16xf32>
    %neg3A_768 = arith.subf %neg3A_767, %add3A_765 : vector<16xf32>
    %exp3A_769 = math.exp %neg3A_768 : vector<16xf32>
    %add3A_770 = arith.constant 1.000000e+00 : f32
    %add3A_771 = vector.broadcast %add3A_770 : f32 to vector<16xf32>
    %add3A_772 = arith.addf %add3A_771, %exp3A_769 : vector<16xf32>
    %div3A_773 = arith.constant 1.000000e+00 : f32
    %div3A_774 = vector.broadcast %div3A_773 : f32 to vector<16xf32>
    %div3A_775 = arith.divf %div3A_774, %add3A_772 : vector<16xf32>
    %swap3A_776 = arith.constant 352 : index
    %swap3A_777 = tpu.vector_load %arg12[%swap3A_776] {strides = array<i32>} : memref<512xf32, #tpu.memory_space<vmem>>, vector<16xf32>,
    %swap3A_778 = vector.shape_cast %swap3A_777 : vector<16xf32> to vector<16xf32>
    %swap3A_779 = vector.shape_cast %div3A_775 : vector<16xf32> to vector<16xf32>
    tpu.vector_store %arg12[%swap3A_776], %swap3A_779 {strides = array<i32>} : memref<512xf32, #tpu.memory_space<vmem>>, vector<16xf32>,
    %sub3A_780 = arith.constant 1.000000e+00 : f32
    %sub3A_781 = vector.broadcast %sub3A_780 : f32 to vector<16xf32>
    %sub3A_782 = arith.subf %sub3A_781, %div3A_775 : vector<16xf32>
    %swap3A_783 = arith.constant 352 : index
    %swap3A_784 = tpu.vector_load %arg13[%swap3A_783] {strides = array<i32>} : memref<512xf32, #tpu.memory_space<vmem>>, vector<16xf32>,
    %swap3A_785 = vector.shape_cast %swap3A_784 : vector<16xf32> to vector<16xf32>
    %swap3A_786 = vector.shape_cast %sub3A_782 : vector<16xf32> to vector<16xf32>
    tpu.vector_store %arg13[%swap3A_783], %swap3A_786 {strides = array<i32>} : memref<512xf32, #tpu.memory_space<vmem>>, vector<16xf32>,
    %get3A_787 = arith.constant 368 : index
    %get3A_788 = tpu.vector_load %arg10[%get3A_787] {strides = array<i32>} : memref<512xf32, #tpu.memory_space<vmem>>, vector<16xf32>,
    %get3A_789 = vector.shape_cast %get3A_788 : vector<16xf32> to vector<16xf32>
    %get3A_790 = arith.constant 368 : index
    %get3A_791 = tpu.vector_load %arg11[%get3A_790] {strides = array<i32>} : memref<512xf32, #tpu.memory_space<vmem>>, vector<16xf32>,
    %get3A_792 = vector.shape_cast %get3A_791 : vector<16xf32> to vector<16xf32>
    %add3A_793 = arith.addf %get3A_789, %get3A_792 : vector<16xf32>
    %neg3A_794 = arith.constant 0.000000e+00 : f32
    %neg3A_795 = vector.broadcast %neg3A_794 : f32 to vector<16xf32>
    %neg3A_796 = arith.subf %neg3A_795, %add3A_793 : vector<16xf32>
    %exp3A_797 = math.exp %neg3A_796 : vector<16xf32>
    %add3A_798 = arith.constant 1.000000e+00 : f32
    %add3A_799 = vector.broadcast %add3A_798 : f32 to vector<16xf32>
    %add3A_800 = arith.addf %add3A_799, %exp3A_797 : vector<16xf32>
    %div3A_801 = arith.constant 1.000000e+00 : f32
    %div3A_802 = vector.broadcast %div3A_801 : f32 to vector<16xf32>
    %div3A_803 = arith.divf %div3A_802, %add3A_800 : vector<16xf32>
    %swap3A_804 = arith.constant 368 : index
    %swap3A_805 = tpu.vector_load %arg12[%swap3A_804] {strides = array<i32>} : memref<512xf32, #tpu.memory_space<vmem>>, vector<16xf32>,
    %swap3A_806 = vector.shape_cast %swap3A_805 : vector<16xf32> to vector<16xf32>
    %swap3A_807 = vector.shape_cast %div3A_803 : vector<16xf32> to vector<16xf32>
    tpu.vector_store %arg12[%swap3A_804], %swap3A_807 {strides = array<i32>} : memref<512xf32, #tpu.memory_space<vmem>>, vector<16xf32>,
    %sub3A_808 = arith.constant 1.000000e+00 : f32
    %sub3A_809 = vector.broadcast %sub3A_808 : f32 to vector<16xf32>
    %sub3A_810 = arith.subf %sub3A_809, %div3A_803 : vector<16xf32>
    %swap3A_811 = arith.constant 368 : index
    %swap3A_812 = tpu.vector_load %arg13[%swap3A_811] {strides = array<i32>} : memref<512xf32, #tpu.memory_space<vmem>>, vector<16xf32>,
    %swap3A_813 = vector.shape_cast %swap3A_812 : vector<16xf32> to vector<16xf32>
    %swap3A_814 = vector.shape_cast %sub3A_810 : vector<16xf32> to vector<16xf32>
    tpu.vector_store %arg13[%swap3A_811], %swap3A_814 {strides = array<i32>} : memref<512xf32, #tpu.memory_space<vmem>>, vector<16xf32>,
    %get3A_815 = arith.constant 384 : index
    %get3A_816 = tpu.vector_load %arg10[%get3A_815] {strides = array<i32>} : memref<512xf32, #tpu.memory_space<vmem>>, vector<16xf32>,
    %get3A_817 = vector.shape_cast %get3A_816 : vector<16xf32> to vector<16xf32>
    %get3A_818 = arith.constant 384 : index
    %get3A_819 = tpu.vector_load %arg11[%get3A_818] {strides = array<i32>} : memref<512xf32, #tpu.memory_space<vmem>>, vector<16xf32>,
    %get3A_820 = vector.shape_cast %get3A_819 : vector<16xf32> to vector<16xf32>
    %add3A_821 = arith.addf %get3A_817, %get3A_820 : vector<16xf32>
    %neg3A_822 = arith.constant 0.000000e+00 : f32
    %neg3A_823 = vector.broadcast %neg3A_822 : f32 to vector<16xf32>
    %neg3A_824 = arith.subf %neg3A_823, %add3A_821 : vector<16xf32>
    %exp3A_825 = math.exp %neg3A_824 : vector<16xf32>
    %add3A_826 = arith.constant 1.000000e+00 : f32
    %add3A_827 = vector.broadcast %add3A_826 : f32 to vector<16xf32>
    %add3A_828 = arith.addf %add3A_827, %exp3A_825 : vector<16xf32>
    %div3A_829 = arith.constant 1.000000e+00 : f32
    %div3A_830 = vector.broadcast %div3A_829 : f32 to vector<16xf32>
    %div3A_831 = arith.divf %div3A_830, %add3A_828 : vector<16xf32>
    %swap3A_832 = arith.constant 384 : index
    %swap3A_833 = tpu.vector_load %arg12[%swap3A_832] {strides = array<i32>} : memref<512xf32, #tpu.memory_space<vmem>>, vector<16xf32>,
    %swap3A_834 = vector.shape_cast %swap3A_833 : vector<16xf32> to vector<16xf32>
    %swap3A_835 = vector.shape_cast %div3A_831 : vector<16xf32> to vector<16xf32>
    tpu.vector_store %arg12[%swap3A_832], %swap3A_835 {strides = array<i32>} : memref<512xf32, #tpu.memory_space<vmem>>, vector<16xf32>,
    %sub3A_836 = arith.constant 1.000000e+00 : f32
    %sub3A_837 = vector.broadcast %sub3A_836 : f32 to vector<16xf32>
    %sub3A_838 = arith.subf %sub3A_837, %div3A_831 : vector<16xf32>
    %swap3A_839 = arith.constant 384 : index
    %swap3A_840 = tpu.vector_load %arg13[%swap3A_839] {strides = array<i32>} : memref<512xf32, #tpu.memory_space<vmem>>, vector<16xf32>,
    %swap3A_841 = vector.shape_cast %swap3A_840 : vector<16xf32> to vector<16xf32>
    %swap3A_842 = vector.shape_cast %sub3A_838 : vector<16xf32> to vector<16xf32>
    tpu.vector_store %arg13[%swap3A_839], %swap3A_842 {strides = array<i32>} : memref<512xf32, #tpu.memory_space<vmem>>, vector<16xf32>,
    %get3A_843 = arith.constant 400 : index
    %get3A_844 = tpu.vector_load %arg10[%get3A_843] {strides = array<i32>} : memref<512xf32, #tpu.memory_space<vmem>>, vector<16xf32>,
    %get3A_845 = vector.shape_cast %get3A_844 : vector<16xf32> to vector<16xf32>
    %get3A_846 = arith.constant 400 : index
    %get3A_847 = tpu.vector_load %arg11[%get3A_846] {strides = array<i32>} : memref<512xf32, #tpu.memory_space<vmem>>, vector<16xf32>,
    %get3A_848 = vector.shape_cast %get3A_847 : vector<16xf32> to vector<16xf32>
    %add3A_849 = arith.addf %get3A_845, %get3A_848 : vector<16xf32>
    %neg3A_850 = arith.constant 0.000000e+00 : f32
    %neg3A_851 = vector.broadcast %neg3A_850 : f32 to vector<16xf32>
    %neg3A_852 = arith.subf %neg3A_851, %add3A_849 : vector<16xf32>
    %exp3A_853 = math.exp %neg3A_852 : vector<16xf32>
    %add3A_854 = arith.constant 1.000000e+00 : f32
    %add3A_855 = vector.broadcast %add3A_854 : f32 to vector<16xf32>
    %add3A_856 = arith.addf %add3A_855, %exp3A_853 : vector<16xf32>
    %div3A_857 = arith.constant 1.000000e+00 : f32
    %div3A_858 = vector.broadcast %div3A_857 : f32 to vector<16xf32>
    %div3A_859 = arith.divf %div3A_858, %add3A_856 : vector<16xf32>
    %swap3A_860 = arith.constant 400 : index
    %swap3A_861 = tpu.vector_load %arg12[%swap3A_860] {strides = array<i32>} : memref<512xf32, #tpu.memory_space<vmem>>, vector<16xf32>,
    %swap3A_862 = vector.shape_cast %swap3A_861 : vector<16xf32> to vector<16xf32>
    %swap3A_863 = vector.shape_cast %div3A_859 : vector<16xf32> to vector<16xf32>
    tpu.vector_store %arg12[%swap3A_860], %swap3A_863 {strides = array<i32>} : memref<512xf32, #tpu.memory_space<vmem>>, vector<16xf32>,
    %sub3A_864 = arith.constant 1.000000e+00 : f32
    %sub3A_865 = vector.broadcast %sub3A_864 : f32 to vector<16xf32>
    %sub3A_866 = arith.subf %sub3A_865, %div3A_859 : vector<16xf32>
    %swap3A_867 = arith.constant 400 : index
    %swap3A_868 = tpu.vector_load %arg13[%swap3A_867] {strides = array<i32>} : memref<512xf32, #tpu.memory_space<vmem>>, vector<16xf32>,
    %swap3A_869 = vector.shape_cast %swap3A_868 : vector<16xf32> to vector<16xf32>
    %swap3A_870 = vector.shape_cast %sub3A_866 : vector<16xf32> to vector<16xf32>
    tpu.vector_store %arg13[%swap3A_867], %swap3A_870 {strides = array<i32>} : memref<512xf32, #tpu.memory_space<vmem>>, vector<16xf32>,
    %get3A_871 = arith.constant 416 : index
    %get3A_872 = tpu.vector_load %arg10[%get3A_871] {strides = array<i32>} : memref<512xf32, #tpu.memory_space<vmem>>, vector<16xf32>,
    %get3A_873 = vector.shape_cast %get3A_872 : vector<16xf32> to vector<16xf32>
    %get3A_874 = arith.constant 416 : index
    %get3A_875 = tpu.vector_load %arg11[%get3A_874] {strides = array<i32>} : memref<512xf32, #tpu.memory_space<vmem>>, vector<16xf32>,
    %get3A_876 = vector.shape_cast %get3A_875 : vector<16xf32> to vector<16xf32>
    %add3A_877 = arith.addf %get3A_873, %get3A_876 : vector<16xf32>
    %neg3A_878 = arith.constant 0.000000e+00 : f32
    %neg3A_879 = vector.broadcast %neg3A_878 : f32 to vector<16xf32>
    %neg3A_880 = arith.subf %neg3A_879, %add3A_877 : vector<16xf32>
    %exp3A_881 = math.exp %neg3A_880 : vector<16xf32>
    %add3A_882 = arith.constant 1.000000e+00 : f32
    %add3A_883 = vector.broadcast %add3A_882 : f32 to vector<16xf32>
    %add3A_884 = arith.addf %add3A_883, %exp3A_881 : vector<16xf32>
    %div3A_885 = arith.constant 1.000000e+00 : f32
    %div3A_886 = vector.broadcast %div3A_885 : f32 to vector<16xf32>
    %div3A_887 = arith.divf %div3A_886, %add3A_884 : vector<16xf32>
    %swap3A_888 = arith.constant 416 : index
    %swap3A_889 = tpu.vector_load %arg12[%swap3A_888] {strides = array<i32>} : memref<512xf32, #tpu.memory_space<vmem>>, vector<16xf32>,
    %swap3A_890 = vector.shape_cast %swap3A_889 : vector<16xf32> to vector<16xf32>
    %swap3A_891 = vector.shape_cast %div3A_887 : vector<16xf32> to vector<16xf32>
    tpu.vector_store %arg12[%swap3A_888], %swap3A_891 {strides = array<i32>} : memref<512xf32, #tpu.memory_space<vmem>>, vector<16xf32>,
    %sub3A_892 = arith.constant 1.000000e+00 : f32
    %sub3A_893 = vector.broadcast %sub3A_892 : f32 to vector<16xf32>
    %sub3A_894 = arith.subf %sub3A_893, %div3A_887 : vector<16xf32>
    %swap3A_895 = arith.constant 416 : index
    %swap3A_896 = tpu.vector_load %arg13[%swap3A_895] {strides = array<i32>} : memref<512xf32, #tpu.memory_space<vmem>>, vector<16xf32>,
    %swap3A_897 = vector.shape_cast %swap3A_896 : vector<16xf32> to vector<16xf32>
    %swap3A_898 = vector.shape_cast %sub3A_894 : vector<16xf32> to vector<16xf32>
    tpu.vector_store %arg13[%swap3A_895], %swap3A_898 {strides = array<i32>} : memref<512xf32, #tpu.memory_space<vmem>>, vector<16xf32>,
    %get3A_899 = arith.constant 432 : index
    %get3A_900 = tpu.vector_load %arg10[%get3A_899] {strides = array<i32>} : memref<512xf32, #tpu.memory_space<vmem>>, vector<16xf32>,
    %get3A_901 = vector.shape_cast %get3A_900 : vector<16xf32> to vector<16xf32>
    %get3A_902 = arith.constant 432 : index
    %get3A_903 = tpu.vector_load %arg11[%get3A_902] {strides = array<i32>} : memref<512xf32, #tpu.memory_space<vmem>>, vector<16xf32>,
    %get3A_904 = vector.shape_cast %get3A_903 : vector<16xf32> to vector<16xf32>
    %add3A_905 = arith.addf %get3A_901, %get3A_904 : vector<16xf32>
    %neg3A_906 = arith.constant 0.000000e+00 : f32
    %neg3A_907 = vector.broadcast %neg3A_906 : f32 to vector<16xf32>
    %neg3A_908 = arith.subf %neg3A_907, %add3A_905 : vector<16xf32>
    %exp3A_909 = math.exp %neg3A_908 : vector<16xf32>
    %add3A_910 = arith.constant 1.000000e+00 : f32
    %add3A_911 = vector.broadcast %add3A_910 : f32 to vector<16xf32>
    %add3A_912 = arith.addf %add3A_911, %exp3A_909 : vector<16xf32>
    %div3A_913 = arith.constant 1.000000e+00 : f32
    %div3A_914 = vector.broadcast %div3A_913 : f32 to vector<16xf32>
    %div3A_915 = arith.divf %div3A_914, %add3A_912 : vector<16xf32>
    %swap3A_916 = arith.constant 432 : index
    %swap3A_917 = tpu.vector_load %arg12[%swap3A_916] {strides = array<i32>} : memref<512xf32, #tpu.memory_space<vmem>>, vector<16xf32>,
    %swap3A_918 = vector.shape_cast %swap3A_917 : vector<16xf32> to vector<16xf32>
    %swap3A_919 = vector.shape_cast %div3A_915 : vector<16xf32> to vector<16xf32>
    tpu.vector_store %arg12[%swap3A_916], %swap3A_919 {strides = array<i32>} : memref<512xf32, #tpu.memory_space<vmem>>, vector<16xf32>,
    %sub3A_920 = arith.constant 1.000000e+00 : f32
    %sub3A_921 = vector.broadcast %sub3A_920 : f32 to vector<16xf32>
    %sub3A_922 = arith.subf %sub3A_921, %div3A_915 : vector<16xf32>
    %swap3A_923 = arith.constant 432 : index
    %swap3A_924 = tpu.vector_load %arg13[%swap3A_923] {strides = array<i32>} : memref<512xf32, #tpu.memory_space<vmem>>, vector<16xf32>,
    %swap3A_925 = vector.shape_cast %swap3A_924 : vector<16xf32> to vector<16xf32>
    %swap3A_926 = vector.shape_cast %sub3A_922 : vector<16xf32> to vector<16xf32>
    tpu.vector_store %arg13[%swap3A_923], %swap3A_926 {strides = array<i32>} : memref<512xf32, #tpu.memory_space<vmem>>, vector<16xf32>,
    %get3A_927 = arith.constant 448 : index
    %get3A_928 = tpu.vector_load %arg10[%get3A_927] {strides = array<i32>} : memref<512xf32, #tpu.memory_space<vmem>>, vector<16xf32>,
    %get3A_929 = vector.shape_cast %get3A_928 : vector<16xf32> to vector<16xf32>
    %get3A_930 = arith.constant 448 : index
    %get3A_931 = tpu.vector_load %arg11[%get3A_930] {strides = array<i32>} : memref<512xf32, #tpu.memory_space<vmem>>, vector<16xf32>,
    %get3A_932 = vector.shape_cast %get3A_931 : vector<16xf32> to vector<16xf32>
    %add3A_933 = arith.addf %get3A_929, %get3A_932 : vector<16xf32>
    %neg3A_934 = arith.constant 0.000000e+00 : f32
    %neg3A_935 = vector.broadcast %neg3A_934 : f32 to vector<16xf32>
    %neg3A_936 = arith.subf %neg3A_935, %add3A_933 : vector<16xf32>
    %exp3A_937 = math.exp %neg3A_936 : vector<16xf32>
    %add3A_938 = arith.constant 1.000000e+00 : f32
    %add3A_939 = vector.broadcast %add3A_938 : f32 to vector<16xf32>
    %add3A_940 = arith.addf %add3A_939, %exp3A_937 : vector<16xf32>
    %div3A_941 = arith.constant 1.000000e+00 : f32
    %div3A_942 = vector.broadcast %div3A_941 : f32 to vector<16xf32>
    %div3A_943 = arith.divf %div3A_942, %add3A_940 : vector<16xf32>
    %swap3A_944 = arith.constant 448 : index
    %swap3A_945 = tpu.vector_load %arg12[%swap3A_944] {strides = array<i32>} : memref<512xf32, #tpu.memory_space<vmem>>, vector<16xf32>,
    %swap3A_946 = vector.shape_cast %swap3A_945 : vector<16xf32> to vector<16xf32>
    %swap3A_947 = vector.shape_cast %div3A_943 : vector<16xf32> to vector<16xf32>
    tpu.vector_store %arg12[%swap3A_944], %swap3A_947 {strides = array<i32>} : memref<512xf32, #tpu.memory_space<vmem>>, vector<16xf32>,
    %sub3A_948 = arith.constant 1.000000e+00 : f32
    %sub3A_949 = vector.broadcast %sub3A_948 : f32 to vector<16xf32>
    %sub3A_950 = arith.subf %sub3A_949, %div3A_943 : vector<16xf32>
    %swap3A_951 = arith.constant 448 : index
    %swap3A_952 = tpu.vector_load %arg13[%swap3A_951] {strides = array<i32>} : memref<512xf32, #tpu.memory_space<vmem>>, vector<16xf32>,
    %swap3A_953 = vector.shape_cast %swap3A_952 : vector<16xf32> to vector<16xf32>
    %swap3A_954 = vector.shape_cast %sub3A_950 : vector<16xf32> to vector<16xf32>
    tpu.vector_store %arg13[%swap3A_951], %swap3A_954 {strides = array<i32>} : memref<512xf32, #tpu.memory_space<vmem>>, vector<16xf32>,
    %get3A_955 = arith.constant 464 : index
    %get3A_956 = tpu.vector_load %arg10[%get3A_955] {strides = array<i32>} : memref<512xf32, #tpu.memory_space<vmem>>, vector<16xf32>,
    %get3A_957 = vector.shape_cast %get3A_956 : vector<16xf32> to vector<16xf32>
    %get3A_958 = arith.constant 464 : index
    %get3A_959 = tpu.vector_load %arg11[%get3A_958] {strides = array<i32>} : memref<512xf32, #tpu.memory_space<vmem>>, vector<16xf32>,
    %get3A_960 = vector.shape_cast %get3A_959 : vector<16xf32> to vector<16xf32>
    %add3A_961 = arith.addf %get3A_957, %get3A_960 : vector<16xf32>
    %neg3A_962 = arith.constant 0.000000e+00 : f32
    %neg3A_963 = vector.broadcast %neg3A_962 : f32 to vector<16xf32>
    %neg3A_964 = arith.subf %neg3A_963, %add3A_961 : vector<16xf32>
    %exp3A_965 = math.exp %neg3A_964 : vector<16xf32>
    %add3A_966 = arith.constant 1.000000e+00 : f32
    %add3A_967 = vector.broadcast %add3A_966 : f32 to vector<16xf32>
    %add3A_968 = arith.addf %add3A_967, %exp3A_965 : vector<16xf32>
    %div3A_969 = arith.constant 1.000000e+00 : f32
    %div3A_970 = vector.broadcast %div3A_969 : f32 to vector<16xf32>
    %div3A_971 = arith.divf %div3A_970, %add3A_968 : vector<16xf32>
    %swap3A_972 = arith.constant 464 : index
    %swap3A_973 = tpu.vector_load %arg12[%swap3A_972] {strides = array<i32>} : memref<512xf32, #tpu.memory_space<vmem>>, vector<16xf32>,
    %swap3A_974 = vector.shape_cast %swap3A_973 : vector<16xf32> to vector<16xf32>
    %swap3A_975 = vector.shape_cast %div3A_971 : vector<16xf32> to vector<16xf32>
    tpu.vector_store %arg12[%swap3A_972], %swap3A_975 {strides = array<i32>} : memref<512xf32, #tpu.memory_space<vmem>>, vector<16xf32>,
    %sub3A_976 = arith.constant 1.000000e+00 : f32
    %sub3A_977 = vector.broadcast %sub3A_976 : f32 to vector<16xf32>
    %sub3A_978 = arith.subf %sub3A_977, %div3A_971 : vector<16xf32>
    %swap3A_979 = arith.constant 464 : index
    %swap3A_980 = tpu.vector_load %arg13[%swap3A_979] {strides = array<i32>} : memref<512xf32, #tpu.memory_space<vmem>>, vector<16xf32>,
    %swap3A_981 = vector.shape_cast %swap3A_980 : vector<16xf32> to vector<16xf32>
    %swap3A_982 = vector.shape_cast %sub3A_978 : vector<16xf32> to vector<16xf32>
    tpu.vector_store %arg13[%swap3A_979], %swap3A_982 {strides = array<i32>} : memref<512xf32, #tpu.memory_space<vmem>>, vector<16xf32>,
    %get3A_983 = arith.constant 480 : index
    %get3A_984 = tpu.vector_load %arg10[%get3A_983] {strides = array<i32>} : memref<512xf32, #tpu.memory_space<vmem>>, vector<16xf32>,
    %get3A_985 = vector.shape_cast %get3A_984 : vector<16xf32> to vector<16xf32>
    %get3A_986 = arith.constant 480 : index
    %get3A_987 = tpu.vector_load %arg11[%get3A_986] {strides = array<i32>} : memref<512xf32, #tpu.memory_space<vmem>>, vector<16xf32>,
    %get3A_988 = vector.shape_cast %get3A_987 : vector<16xf32> to vector<16xf32>
    %add3A_989 = arith.addf %get3A_985, %get3A_988 : vector<16xf32>
    %neg3A_990 = arith.constant 0.000000e+00 : f32
    %neg3A_991 = vector.broadcast %neg3A_990 : f32 to vector<16xf32>
    %neg3A_992 = arith.subf %neg3A_991, %add3A_989 : vector<16xf32>
    %exp3A_993 = math.exp %neg3A_992 : vector<16xf32>
    %add3A_994 = arith.constant 1.000000e+00 : f32
    %add3A_995 = vector.broadcast %add3A_994 : f32 to vector<16xf32>
    %add3A_996 = arith.addf %add3A_995, %exp3A_993 : vector<16xf32>
    %div3A_997 = arith.constant 1.000000e+00 : f32
    %div3A_998 = vector.broadcast %div3A_997 : f32 to vector<16xf32>
    %div3A_999 = arith.divf %div3A_998, %add3A_996 : vector<16xf32>
    %swap3A_1000 = arith.constant 480 : index
    %swap3A_1001 = tpu.vector_load %arg12[%swap3A_1000] {strides = array<i32>} : memref<512xf32, #tpu.memory_space<vmem>>, vector<16xf32>,
    %swap3A_1002 = vector.shape_cast %swap3A_1001 : vector<16xf32> to vector<16xf32>
    %swap3A_1003 = vector.shape_cast %div3A_999 : vector<16xf32> to vector<16xf32>
    tpu.vector_store %arg12[%swap3A_1000], %swap3A_1003 {strides = array<i32>} : memref<512xf32, #tpu.memory_space<vmem>>, vector<16xf32>,
    %sub3A_1004 = arith.constant 1.000000e+00 : f32
    %sub3A_1005 = vector.broadcast %sub3A_1004 : f32 to vector<16xf32>
    %sub3A_1006 = arith.subf %sub3A_1005, %div3A_999 : vector<16xf32>
    %swap3A_1007 = arith.constant 480 : index
    %swap3A_1008 = tpu.vector_load %arg13[%swap3A_1007] {strides = array<i32>} : memref<512xf32, #tpu.memory_space<vmem>>, vector<16xf32>,
    %swap3A_1009 = vector.shape_cast %swap3A_1008 : vector<16xf32> to vector<16xf32>
    %swap3A_1010 = vector.shape_cast %sub3A_1006 : vector<16xf32> to vector<16xf32>
    tpu.vector_store %arg13[%swap3A_1007], %swap3A_1010 {strides = array<i32>} : memref<512xf32, #tpu.memory_space<vmem>>, vector<16xf32>,
    %get3A_1011 = arith.constant 496 : index
    %get3A_1012 = tpu.vector_load %arg10[%get3A_1011] {strides = array<i32>} : memref<512xf32, #tpu.memory_space<vmem>>, vector<16xf32>,
    %get3A_1013 = vector.shape_cast %get3A_1012 : vector<16xf32> to vector<16xf32>
    %get3A_1014 = arith.constant 496 : index
    %get3A_1015 = tpu.vector_load %arg11[%get3A_1014] {strides = array<i32>} : memref<512xf32, #tpu.memory_space<vmem>>, vector<16xf32>,
    %get3A_1016 = vector.shape_cast %get3A_1015 : vector<16xf32> to vector<16xf32>
    %add3A_1017 = arith.addf %get3A_1013, %get3A_1016 : vector<16xf32>
    %neg3A_1018 = arith.constant 0.000000e+00 : f32
    %neg3A_1019 = vector.broadcast %neg3A_1018 : f32 to vector<16xf32>
    %neg3A_1020 = arith.subf %neg3A_1019, %add3A_1017 : vector<16xf32>
    %exp3A_1021 = math.exp %neg3A_1020 : vector<16xf32>
    %add3A_1022 = arith.constant 1.000000e+00 : f32
    %add3A_1023 = vector.broadcast %add3A_1022 : f32 to vector<16xf32>
    %add3A_1024 = arith.addf %add3A_1023, %exp3A_1021 : vector<16xf32>
    %div3A_1025 = arith.constant 1.000000e+00 : f32
    %div3A_1026 = vector.broadcast %div3A_1025 : f32 to vector<16xf32>
    %div3A_1027 = arith.divf %div3A_1026, %add3A_1024 : vector<16xf32>
    %swap3A_1028 = arith.constant 496 : index
    %swap3A_1029 = tpu.vector_load %arg12[%swap3A_1028] {strides = array<i32>} : memref<512xf32, #tpu.memory_space<vmem>>, vector<16xf32>,
    %swap3A_1030 = vector.shape_cast %swap3A_1029 : vector<16xf32> to vector<16xf32>
    %swap3A_1031 = vector.shape_cast %div3A_1027 : vector<16xf32> to vector<16xf32>
    tpu.vector_store %arg12[%swap3A_1028], %swap3A_1031 {strides = array<i32>} : memref<512xf32, #tpu.memory_space<vmem>>, vector<16xf32>,
    %sub3A_1032 = arith.constant 1.000000e+00 : f32
    %sub3A_1033 = vector.broadcast %sub3A_1032 : f32 to vector<16xf32>
    %sub3A_1034 = arith.subf %sub3A_1033, %div3A_1027 : vector<16xf32>
    %swap3A_1035 = arith.constant 496 : index
    %swap3A_1036 = tpu.vector_load %arg13[%swap3A_1035] {strides = array<i32>} : memref<512xf32, #tpu.memory_space<vmem>>, vector<16xf32>,
    %swap3A_1037 = vector.shape_cast %swap3A_1036 : vector<16xf32> to vector<16xf32>
    %swap3A_1038 = vector.shape_cast %sub3A_1034 : vector<16xf32> to vector<16xf32>
    tpu.vector_store %arg13[%swap3A_1035], %swap3A_1038 {strides = array<i32>} : memref<512xf32, #tpu.memory_space<vmem>>, vector<16xf32>,
    "tpu.region"() ({
      %run_scoped3A = tpu.sem_alloc : memref<!tpu.dma_semaphore, #tpu.memory_space<semaphore_mem>>
      %dma_start3A_1039 = tpu.memref_slice %arg6[%mul3A_2] : memref<16384xf32, #tpu.memory_space<hbm>> -> memref<512xf32, #tpu.memory_space<hbm>>
      %dma_start3A_1040 = tpu.memref_slice %arg6[%mul3A_2] : memref<16384xf32, #tpu.memory_space<hbm>> -> memref<512xf32, #tpu.memory_space<hbm>>
      tpu.enqueue_dma source(%arg12 : memref<512xf32, #tpu.memory_space<vmem>>) target(%dma_start3A_1040 : memref<512xf32, #tpu.memory_space<hbm>>) target_semaphore(%run_scoped3A : memref<!tpu.dma_semaphore, #tpu.memory_space<semaphore_mem>>)
      %dma_wait3A_1041 = tpu.memref_slice %arg6[%mul3A_2] : memref<16384xf32, #tpu.memory_space<hbm>> -> memref<512xf32, #tpu.memory_space<hbm>>
      %dma_wait3A_1042 = tpu.memref_slice %arg6[%mul3A_2] : memref<16384xf32, #tpu.memory_space<hbm>> -> memref<512xf32, #tpu.memory_space<hbm>>
      tpu.wait_dma2 semaphore(%run_scoped3A : memref<!tpu.dma_semaphore, #tpu.memory_space<semaphore_mem>>) src(%arg12 : memref<512xf32, #tpu.memory_space<vmem>>) dst(%dma_wait3A_1042 : memref<512xf32, #tpu.memory_space<hbm>>)
      tpu.yield
    }) : () -> ()
    "tpu.region"() ({
      %run_scoped3A = tpu.sem_alloc : memref<!tpu.dma_semaphore, #tpu.memory_space<semaphore_mem>>
      %dma_start3A_1039 = tpu.memref_slice %arg7[%mul3A_2] : memref<16384xf32, #tpu.memory_space<hbm>> -> memref<512xf32, #tpu.memory_space<hbm>>
      %dma_start3A_1040 = tpu.memref_slice %arg7[%mul3A_2] : memref<16384xf32, #tpu.memory_space<hbm>> -> memref<512xf32, #tpu.memory_space<hbm>>
      tpu.enqueue_dma source(%arg13 : memref<512xf32, #tpu.memory_space<vmem>>) target(%dma_start3A_1040 : memref<512xf32, #tpu.memory_space<hbm>>) target_semaphore(%run_scoped3A : memref<!tpu.dma_semaphore, #tpu.memory_space<semaphore_mem>>)
      %dma_wait3A_1041 = tpu.memref_slice %arg7[%mul3A_2] : memref<16384xf32, #tpu.memory_space<hbm>> -> memref<512xf32, #tpu.memory_space<hbm>>
      %dma_wait3A_1042 = tpu.memref_slice %arg7[%mul3A_2] : memref<16384xf32, #tpu.memory_space<hbm>> -> memref<512xf32, #tpu.memory_space<hbm>>
      tpu.wait_dma2 semaphore(%run_scoped3A : memref<!tpu.dma_semaphore, #tpu.memory_space<semaphore_mem>>) src(%arg13 : memref<512xf32, #tpu.memory_space<vmem>>) dst(%dma_wait3A_1042 : memref<512xf32, #tpu.memory_space<hbm>>)
      tpu.yield
    }) : () -> ()
    return
  }
}

module attributes {stable_mosaic.version = 14 : i64} {
  func.func @body(%arg0: i32, %arg1: memref<32x65536xf32, #tpu.memory_space<vmem>>, %arg2: memref<2x64xf32, #tpu.memory_space<vmem>>, %arg3: memref<65536xf32, #tpu.memory_space<vmem>>) attributes {dimension_semantics = [#tpu.dimension_semantics<arbitrary>], iteration_bounds = array<i64: 16>, scalar_prefetch = 0 : i64, scratch_operands = 0 : i64, tpu.core_type = #tpu.core_type<tc>, window_params = [{transform_indices = @transform_0, window_bounds = array<i64: 32, 65536>}, {pipeline_mode = #tpu.pipeline_mode<synchronous>, transform_indices = @transform_1, window_bounds = array<i64: 2, 64>}, {transform_indices = @transform_2, window_bounds = array<i64: 65536>}]} {
    %get3A = arith.constant 0 : index
    %get3A_0 = arith.constant 0 : index
    %get3A_1 = vector.load %arg2[%get3A, %get3A_0] : memref<2x64xf32, #tpu.memory_space<vmem>>, vector<2x64xf32>
    %slice3A = vector.extract_strided_slice %get3A_1 {offsets = [0, 0], sizes = [1, 32], strides = [1, 1]} : vector<2x64xf32> to vector<1x32xf32>
    %slice3A_2 = vector.extract_strided_slice %get3A_1 {offsets = [1, 0], sizes = [1, 32], strides = [1, 1]} : vector<2x64xf32> to vector<1x32xf32>
    %sub3A = arith.subf %slice3A, %slice3A_2 : vector<1x32xf32>
    %get3A_3 = arith.constant 0 : index
    %get3A_4 = arith.constant 0 : index
    %get3A_5 = vector.load %arg1[%get3A_3, %get3A_4] : memref<32x65536xf32, #tpu.memory_space<vmem>>, vector<32x65536xf32>
    %dot_general3A = arith.constant dense<0.000000e+00> : vector<1x65536xf32>
    %dot_general3A_6 = tpu.matmul %sub3A, %get3A_5, %dot_general3A {dimension_numbers = #tpu.dot_dimension_numbers<[1], [0], [0], [1], [0, 0, 1, 1], [], []>, transpose_lhs_hint = false} : vector<1x32xf32>, vector<32x65536xf32>, vector<1x65536xf32> -> vector<1x65536xf32>
    %squeeze3A = vector.shape_cast %dot_general3A_6 : vector<1x65536xf32> to vector<65536xf32>
    %swap3A = arith.constant 0 : index
    %swap3A_7 = vector.load %arg3[%swap3A] : memref<65536xf32, #tpu.memory_space<vmem>>, vector<65536xf32>
    tpu.vector_store %arg3[%swap3A], %squeeze3A {strides = array<i32>} : memref<65536xf32, #tpu.memory_space<vmem>>, vector<65536xf32>,
    return
  }
  func.func @transform_0(%arg0: i32) -> (i32, i32) {
    %c0_i32 = arith.constant 0 : i32
    %c0_i32_0 = arith.constant 0 : i32
    return %c0_i32, %arg0 : i32, i32
  }
  func.func @transform_1(%arg0: i32) -> (i32, i32) {
    %c0_i32 = arith.constant 0 : i32
    %c0_i32_0 = arith.constant 0 : i32
    %c0_i32_1 = arith.constant 0 : i32
    return %c0_i32, %c0_i32_0 : i32, i32
  }
  func.func @transform_2(%arg0: i32) -> i32 {
    %c0_i32 = arith.constant 0 : i32
    return %arg0 : i32
  }
}

module attributes {stable_mosaic.version = 14 : i64} {
  func.func @body(%arg0: i32, %arg1: memref<32x65536xf32, #tpu.memory_space<vmem>>, %arg2: memref<2x64xf32, #tpu.memory_space<vmem>>, %arg3: memref<1x2xf32, #tpu.memory_space<vmem>>, %arg4: memref<65536xf32, #tpu.memory_space<vmem>>) attributes {dimension_semantics = [#tpu.dimension_semantics<arbitrary>], iteration_bounds = array<i64: 2>, scalar_prefetch = 0 : i64, scratch_operands = 0 : i64, tpu.core_type = #tpu.core_type<tc>, window_params = [{transform_indices = @transform_0, window_bounds = array<i64: 32, 65536>}, {pipeline_mode = #tpu.pipeline_mode<synchronous>, transform_indices = @transform_1, window_bounds = array<i64: 2, 64>}, {pipeline_mode = #tpu.pipeline_mode<synchronous>, transform_indices = @transform_2, window_bounds = array<i64: 1, 2>}, {transform_indices = @transform_3, window_bounds = array<i64: 65536>}]} {
    %get3A = arith.constant 0 : index
    %get3A_0 = arith.constant 0 : index
    %get3A_1 = vector.load %arg2[%get3A, %get3A_0] : memref<2x64xf32, #tpu.memory_space<vmem>>, vector<2x64xf32>
    %slice3A = vector.extract_strided_slice %get3A_1 {offsets = [0, 32], sizes = [1, 32], strides = [1, 1]} : vector<2x64xf32> to vector<1x32xf32>
    %slice3A_2 = vector.extract_strided_slice %get3A_1 {offsets = [1, 32], sizes = [1, 32], strides = [1, 1]} : vector<2x64xf32> to vector<1x32xf32>
    %sub3A = arith.subf %slice3A, %slice3A_2 : vector<1x32xf32>
    %get3A_3 = arith.constant 0 : index
    %get3A_4 = arith.constant 0 : index
    %get3A_5 = vector.load %arg1[%get3A_3, %get3A_4] : memref<32x65536xf32, #tpu.memory_space<vmem>>, vector<32x65536xf32>
    %dot_general3A = arith.constant dense<0.000000e+00> : vector<1x65536xf32>
    %dot_general3A_6 = tpu.matmul %sub3A, %get3A_5, %dot_general3A {dimension_numbers = #tpu.dot_dimension_numbers<[1], [0], [0], [1], [0, 0, 1, 1], [], []>, transpose_lhs_hint = false} : vector<1x32xf32>, vector<32x65536xf32>, vector<1x65536xf32> -> vector<1x65536xf32>
    %get3A_7 = arith.constant 0 : index
    %get3A_8 = arith.constant 0 : index
    %get3A_9 = vector.load %arg3[%get3A_7, %get3A_8] : memref<1x2xf32, #tpu.memory_space<vmem>>, vector<1x2xf32>
    %squeeze3A = vector.shape_cast %dot_general3A_6 : vector<1x65536xf32> to vector<65536xf32>
    %slice3A_10 = vector.extract_strided_slice %get3A_9 {offsets = [0, 0], sizes = [1, 1], strides = [1, 1]} : vector<1x2xf32> to vector<1x1xf32>
    %squeeze3A_11 = vector.extract %slice3A_10[0, 0] : f32 from vector<1x1xf32>
    %slice3A_12 = vector.extract_strided_slice %get3A_9 {offsets = [0, 1], sizes = [1, 1], strides = [1, 1]} : vector<1x2xf32> to vector<1x1xf32>
    %squeeze3A_13 = vector.extract %slice3A_12[0, 0] : f32 from vector<1x1xf32>
    %sub3A_14 = arith.subf %squeeze3A_11, %squeeze3A_13 : f32
    %add3A = vector.broadcast %sub3A_14 : f32 to vector<65536xf32>
    %add3A_15 = arith.addf %squeeze3A, %add3A : vector<65536xf32>
    %swap3A = arith.constant 0 : index
    %swap3A_16 = vector.load %arg4[%swap3A] : memref<65536xf32, #tpu.memory_space<vmem>>, vector<65536xf32>
    tpu.vector_store %arg4[%swap3A], %add3A_15 {strides = array<i32>} : memref<65536xf32, #tpu.memory_space<vmem>>, vector<65536xf32>,
    return
  }
  func.func @transform_0(%arg0: i32) -> (i32, i32) {
    %c0_i32 = arith.constant 0 : i32
    %c0_i32_0 = arith.constant 0 : i32
    return %c0_i32, %arg0 : i32, i32
  }
  func.func @transform_1(%arg0: i32) -> (i32, i32) {
    %c0_i32 = arith.constant 0 : i32
    %c0_i32_0 = arith.constant 0 : i32
    %c0_i32_1 = arith.constant 0 : i32
    return %c0_i32, %c0_i32_0 : i32, i32
  }
  func.func @transform_2(%arg0: i32) -> (i32, i32) {
    %c0_i32 = arith.constant 0 : i32
    %c0_i32_0 = arith.constant 0 : i32
    %c0_i32_1 = arith.constant 0 : i32
    return %c0_i32, %c0_i32_0 : i32, i32
  }
  func.func @transform_3(%arg0: i32) -> i32 {
    %c0_i32 = arith.constant 0 : i32
    return %arg0 : i32
  }
}

</mosaic_0001>

<sc_bundles>
// kernel: kernel.5.cloned.1.call-start
scs
__scs_entry_jumppad:
0x0: {  	(pc) =	sbr.rel $0x88, $3  }
0x1: {  	(tag) =	ssettag $0x0;
	lr =	simm.s32 $0x1  }
0x2: {  	[smem:$0x3F9B] =	sst lr;
	_ =	strace $0xD0000000  }
0x3: {  	_ = 	snop  }
0x4: {  	_ = 	snop  }
0x5: {  	_ = 	snop  }
0x6: {  	_ = 	snop  }
0x7: {  	_ = 	snop  }
__scs_overlays_trampoline_lowered:
0x8: {  	[smem:$0x3FAA] =	sst s0  }
0x9: {  	[smem:$0x3FAB] =	sst s1  }
0xa: {  	[smem:$0x3FAC] =	sst s2  }
0xb: {  	[smem:$0x3FAD] =	sst s3  }
0xc: {  	[smem:$0x3FAE] =	sst s4  }
0xd: {  	[smem:$0x3FAF] =	sst s5  }
0xe: {  	[smem:$0x3FB0] =	sst s6  }
0xf: {  	[smem:$0x3FB1] =	sst s7  }
0x10: {  	[smem:$0x3FB2] =	sst s8  }
0x11: {  	[smem:$0x3FB3] =	sst s9;
	s0 =	simm.s32 @!p0 $0x0  }
0x12: {  	s1 =	sld [smem:$0x3F99];
	s0 =	simm.s32 @p0 $0x1  }
0x13: {  	[smem:$0x3FB4] =	sst s0;
	s0 =	simm.s32 @!p1 $0x0  }
0x14: {  	s2 =	sld [smem:$0x3F98];
	s0 =	simm.s32 @p1 $0x1  }
0x15: {  	[smem:$0x3FB5] =	sst s0;
	s0 =	simm.s32 @!p2 $0x0  }
0x16: {  	s3 =	sld [smem:$0x3FDB];
	s0 =	simm.s32 @p2 $0x1  }
0x17: {  	s4 =	simm.s32 $0x1BF5;
	[smem:$0x3FB7] =	sst s0  }
0x18: {  	s0 =	sld [smem:$0x3F9A];
	_ =	swait.ge [sflag:s4], $0x0  }
0x19: {  	s7 =	sld [smem:$0x3F9B]  }
0x1a: {  	s8 =	sadd.s32 $0xFFFFE003, lr  }
0x1b: {  	s9 =	sadd.s32 $0xFFFFFEF7, lr;
	s5 =	simm.s32 $0xFFFFFFFF;
	p2 =	slt.u32 s8, $0xFFFFF086  }
0x1c: {  	p1 =	slt.u32 s9, $0xF7A;
	s5 =	simm.s32 @!p2 $0x0  }
0x1d: {  	s5 =	simm.s32 @p1 $0x1;
	p0 =	seq.s32 s7, s2  }
0x1e: {  	s7 =	smul.u32 @!p0 $0xF7A, s2;
	p2 =	seq.s32 @!p0 s5, $0x0  }
0x1f: {  	s9 =	smul.u32 $0xF7A, s1;
	s8 =	simm.s32 @!p0 $0x1BF5;
	p2 =	por !p2, p0  }
0x20: {  	[sflag:s8] =	ssyncset.s32 @!p0 $0xFFFFF086;
	s6 =	sadd.s32 @!p0 s3, s7;
	s7 =	simm.s32 @!p0 $0x108  }
0x21: {  	s3 =	sadd.s32 s3, s9;
	s6 =	sadd.s32 @!p0 $0x88, s6;
	s7 =	simm.s32 @p2 $0x1082  }
0x22: {  	[simem:s7], [sflag:s8] =	dma.local @!p0 [hbm:s6], $0xF7A  }
0x23: {  	s9 =	sor.u32 $0xD0000000, s2;
	s6 =	simm.s32 $0x108;
	_ =	swait.ge @!p0 [sflag:s8], $0x0  }
0x24: {  	s3 =	sadd.s32 $0x88, s3;
	s6 =	simm.s32 @!p1 $0x1082;
	[sflag:s4] =	ssyncset.s32 $0xFFFFF086  }
0x25: {  	[simem:s6], [sflag:s4] =	dma.local [hbm:s3], $0xF7A  }
0x26: {  	[smem:$0x3F9B] =	sst s1;
	(tag) =	ssettag s2;
	_ =	strace s9  }
0x27: {  	s1 =	sld [smem:$0x3FAB]  }
0x28: {  	s2 =	sld [smem:$0x3FAC]  }
0x29: {  	s4 =	sld [smem:$0x3FAE]  }
0x2a: {  	p0 =	seq.s32 s5, $0x0;
	s5 =	sld [smem:$0x3FAF]  }
0x2b: {  	s6 =	sld [smem:$0x3FB0]  }
0x2c: {  	s7 =	sld [smem:$0x3FB1]  }
0x2d: {  	s3 =	simm.s32 $0x108;
	s8 =	sld [smem:$0x3FB2]  }
0x2e: {  	s3 =	simm.s32 @!p0 $0x1082;
	s9 =	sld [smem:$0x3FB3]  }
0x2f: {  	lr =	sadd.s32 s0, s3;
	s0 =	sld [smem:$0x3FAA]  }
0x30: {  	s3 =	sld [smem:$0x3FAD]  }
0x31: {  	[smem:$0x3FB6] =	sst s10  }
0x32: {  	s10 =	sld [smem:$0x3FB4];
	_ =	sdelay $0x3  }
0x33: {  	p0 =	seq.s32 s10, $0x1;
	s10 =	sld [smem:$0x3FB6];
	_ =	sdelay $0x3  }
0x34: {  	[smem:$0x3FB6] =	sst s10  }
0x35: {  	s10 =	sld [smem:$0x3FB5];
	_ =	sdelay $0x3  }
0x36: {  	p1 =	seq.s32 s10, $0x1;
	s10 =	sld [smem:$0x3FB6];
	_ =	sdelay $0x3  }
0x37: {  	[smem:$0x3FB6] =	sst s10  }
0x38: {  	s10 =	sld [smem:$0x3FB7]  }
0x39: {  	_ = 	snop;
	(pc) =	sbr.ind lr, $3  }
0x3a: {  	_ = 	snop  }
0x3b: {  	_ = 	snop  }
0x3c: {  	p2 =	seq.s32 s10, $0x1;
	s10 =	sld [smem:$0x3FB6]  }
0x3d: {  	_ =	shalt  }
0x3e: {  	_ =	shalt  }
0x3f: {  	_ =	shalt  }
0x40: {  	_ =	shalt  }
0x41: {  	_ =	shalt  }
0x42: {  	_ =	shalt  }
0x43: {  	_ =	shalt  }
0x44: {  	_ =	shalt  }
0x45: {  	_ =	shalt  }
0x46: {  	_ =	shalt  }
0x47: {  	_ =	shalt  }
0x48: {  	_ =	shalt  }
0x49: {  	_ =	shalt  }
0x4a: {  	_ =	shalt  }
0x4b: {  	_ =	shalt  }
0x4c: {  	_ =	shalt  }
0x4d: {  	_ =	shalt  }
0x4e: {  	_ =	shalt  }
0x4f: {  	_ =	shalt  }
0x50: {  	_ =	shalt  }
0x51: {  	_ =	shalt  }
0x52: {  	_ =	shalt  }
0x53: {  	_ =	shalt  }
0x54: {  	_ =	shalt  }
0x55: {  	_ =	shalt  }
0x56: {  	_ =	shalt  }
0x57: {  	_ =	shalt  }
0x58: {  	_ =	shalt  }
0x59: {  	_ =	shalt  }
0x5a: {  	_ =	shalt  }
0x5b: {  	_ =	shalt  }
0x5c: {  	_ =	shalt  }
0x5d: {  	_ =	shalt  }
0x5e: {  	_ =	shalt  }
0x5f: {  	_ =	shalt  }
0x60: {  	_ =	shalt  }
0x61: {  	_ =	shalt  }
0x62: {  	_ =	shalt  }
0x63: {  	_ =	shalt  }
0x64: {  	_ =	shalt  }
0x65: {  	_ =	shalt  }
0x66: {  	_ =	shalt  }
0x67: {  	_ =	shalt  }
0x68: {  	_ =	shalt  }
0x69: {  	_ =	shalt  }
0x6a: {  	_ =	shalt  }
0x6b: {  	_ =	shalt  }
0x6c: {  	_ =	shalt  }
0x6d: {  	_ =	shalt  }
0x6e: {  	_ =	shalt  }
0x6f: {  	_ =	shalt  }
0x70: {  	_ =	shalt  }
0x71: {  	_ =	shalt  }
0x72: {  	_ =	shalt  }
0x73: {  	_ =	shalt  }
0x74: {  	_ =	shalt  }
0x75: {  	_ =	shalt  }
0x76: {  	_ =	shalt  }
0x77: {  	_ =	shalt  }
0x78: {  	_ =	shalt  }
0x79: {  	_ =	shalt  }
0x7a: {  	_ =	shalt  }
0x7b: {  	_ =	shalt  }
0x7c: {  	_ =	shalt  }
0x7d: {  	_ =	shalt  }
0x7e: {  	_ =	shalt  }
0x7f: {  	_ =	shalt  }
0x80: {  	_ =	shalt  }
0x81: {  	_ =	shalt  }
0x82: {  	_ =	shalt  }
0x83: {  	_ =	shalt  }
0x84: {  	_ =	shalt  }
0x85: {  	_ =	shalt  }
0x86: {  	_ =	shalt  }
0x87: {  	_ =	shalt  }
.Lfunc_end0:
.L_simem_size_0:
called_computation_lowered:
.L_overlay_start_0:
0x88: {  	s2 =	sld [smem:$0x3FD9]  }
0x89: {  	s3 =	sld [smem:$0x3FFE];
	_ =	sdelay $0x1  }
0x8a: {  	s1 =	srdreg.scid  }
0x8b: {  	s0 =	sand.u32 $0x1, s1  }
0x8c: {  	s17 =	sshll.u32 s0, $0xA;
	s2 =	sadd.s32 s3, s2  }
0x8d: {  	s2 =	sadd.s32 s2, s17  }
0x8e: {  	[smem:$0x3FC2] =	sst s2  }
0x8f: {  	_ = 	snop  }
0x90: {  	s2 =	sld [smem:$0x3FC9]  }
0x91: {  	s18 =	sld [smem:$0x3FC8];
	(tm) =	ssettm $0x1  }
0x92: {  	s4 =	sld [smem:$0x3FFB];
	_ =	sdelay $0x3  }
0x93: {  	_ =	strace s4  }
0x94: {  	s4 =	sld [smem:$0x3FFC];
	_ =	sdelay $0x3  }
0x95: {  	_ =	strace s4  }
0x96: {  	s4 =	sld [smem:$0x3FFD];
	_ =	sdelay $0x3  }
0x97: {  	_ =	strace s4  }
0x98: {  	_ =	strace $0x8FFFFFFF  }
0x99: {  	s19 =	sld [smem:$0x3FDB];
	_ =	sdelay $0x1  }
0x9a: {  	s5 =	simm.s32 $_scs_section_size  }
0x9b: {  	s6 =	simm.s32 $_size__tile_overlayer_lowered;
	s7 =	simm.s32 $_tile_overlayer_lowered  }
0x9c: {  	s22 =	simm.s32 $0x1BFF;
	s21 =	sshll.u32 s7, $0x1;
	s4 =	sadd.s32 s5, s19  }
0x9d: {  	s8 =	simm.s32 $0x0;
	s20 =	sshll.u32 s6, $0x1;
	s6 =	sadd.s32 s21, s4  }
0x9e: {  	[timem:s8], [sflag:s22] =	dma.local [hbm:s6], s20  }
0x9f: {  	_ =	swait.ge [sflag:s22], s20  }
0xa0: {  	s5 =	ssub.s32 $0x0, s20;
	[sflag:s22] =	ssyncset.done $0x0  }
0xa1: {  	[sflag:s22] =	ssyncadd.s32 s5;
	_ =	sdelay $0x1  }
0xa2: {  	s23 =	simm.s32 $0x1B8B  }
0xa3: {  	_ =	swait.ge [sflag:s23], $0x1  }
0xa4: {  	[sflag:s23] =	ssyncset.done $0x0  }
0xa5: {  	s25 =	simm.s32 $0x1B8E;
	s24 =	sld [smem:$0x3FFE];
	[sflag:s23] =	ssyncadd.s32 $0xFFFFFFFF  }
0xa6: {  	s26 =	simm.s32 $execute0_lowered;
	[smem:$0x3FD2] =	sst s25  }
0xa7: {  	s6 =	sshll.u32 s26, $0x1;
	_ =	strace $0x80000046;
	[dreg:$0x1] =	wrdreg $0xFFFFFFFF  }
0xa8: {  	s28 =	simm.s32 $_size_execute0_lowered;
	s4 =	sadd.s32 s4, s6;
	[dreg:$0x0] =	wrdreg $0x0  }
0xa9: {  	s6 =	sshll.u32 s28, $0x1;
	[dreg:$0x2] =	wrdreg s4  }
0xaa: {  	[dreg:$0x3] =	wrdreg s6  }
0xab: {  	[dreg:$0x4] =	wrdreg $0xC0  }
0xac: {  	_ =	task [dreg:s8], $0x5FFFF  }
0xad: {  	[dreg:$0x1] =	wrdreg $0xFFFFFFFF  }
0xae: {  	[dreg:$0x0] =	wrdreg $0x60  }
0xaf: {  	[dreg:$0x2] =	wrdreg s24  }
0xb0: {  	[dreg:$0x3] =	wrdreg s2  }
0xb1: {  	[dreg:$0x4] =	wrdreg s18  }
0xb2: {  	[dreg:$0x5] =	wrdreg $0x9  }
0xb3: {  	_ =	task.clear_ibuf [dreg:s8], $0x6FFFF;
	_ =	strace $0x90000046  }
0xb4: {  	s29 =	simm.s32 $0x9;
	_ =	strace $0x80000048  }
0xb5: {  	_ =	swait.ge [sflag:s29], $0x1  }
0xb6: {  	[sflag:s29] =	ssyncadd.s32 $0xFFFFFFFF  }
0xb7: {  	_ =	strace $0x90000048  }
0xb8: {  	_ =	sfence  }
0xb9: {  	s30 =	sld [smem:$0x0];
	_ =	sdelay $0x2  }
0xba: {  	s31 =	sshll.u32 s1, $0xD;
	s1 =	sshrl.u32 s1, $0x2  }
0xbb: {  	s3 =	sand.u32 $0x4000, s31;
	s1 =	sadd.s32 s1, s30  }
0xbc: {  	s0 =	sor.u32 s3, s0;
	s1 =	sshll.u32 s1, $0x11  }
0xbd: {  	s0 =	sor.u32 s1, s0  }
0xbe: {  	s0 =	sadd.s32 $0x8F2B, s0  }
0xbf: {  	[sflag:s0] =	ssyncadd.remote.s32 $0x1  }
0xc0: {  	_ =	sfence.sel $0xFFFF  }
0xc1: {  	[dreg:$0x0] =	wrdreg $0xFFFFFFFF;
	(pc) =	sbr.abs _section_cstart, $3  }
0xc2: {  	[dreg:$0x1] =	wrdreg $0xFFFFFFFF  }
0xc3: {  	_ =	task.clear_ibuf [dreg:s8], $0x2FFFF;
	_ =	strace $0x9FFFFFFF  }
0xc4: {  	(tm) =	ssettm $0x7FFFFFFF  }
0xc5: {  	_ =	shalt  }
tec
execute0_lowered:
.L_overlay_start_1:
0x0: {  	(tag) =	ssettag $0x1  }
0x1: {  	s5 =	rddreg [dreg:$0x0]  }
0x2: {  	s6 =	rddreg [dreg:$0x1]  }
0x3: {  	s7 =	rddreg [dreg:$0x2]  }
0x4: {  	s0 =	rddreg [dreg:$0x3]  }
0x5: {  	s2 =	simm.s32 $0x0;
	s3 =	srdreg.scid;
	s1 =	stileid.u32  }
0x6: {  	s12 =	simm.s32 $0x80;
	s13 =	simm.s32 $0x400;
	s14 =	simm.s32 $0x600  }
0x7: {  	s15 =	simm.s32 $0x480;
	s16 =	simm.s32 $0x280;
	s17 =	simm.s32 $0x680  }
0x8: {  	s18 =	simm.s32 $0x100;
	s19 =	simm.s32 $0x500;
	s20 =	simm.s32 $0x300  }
0x9: {  	s21 =	simm.s32 $0x700;
	s22 =	simm.s32 $0x180;
	s23 =	simm.s32 $0x580  }
0xa: {  	s24 =	simm.s32 $0x380;
	s25 =	simm.s32 $0x780;
	s26 =	simm.s32 $0x800  }
0xb: {  	s28 =	simm.s32 $0x2;
	s29 =	simm.s32 $0xA00;
	[smem:$0x7FF] =	sst s2  }
0xc: {  	s3 =	sand.u32 $0x1, s3;
	s4 =	sshll.u32 s1, $0x7;
	_ =	strace $0x80000047  }
0xd: {  	s8 =	sshll.u32 s3, $0x6;
	s9 =	ssub.s32 $0x2, s3;
	s3 =	sadd.s32 $0x1200, s5  }
0xe: {  	s8 =	sor.u32 s8, s4;
	s10 =	sshrl.u32 s9, $0x1;
	s4 =	sadd.s32 $0x1FC00, s5  }
0xf: {  	s11 =	sadd.s32 s8, s5;
	s9 =	ssub.s32 s9, s10;
	s5 =	sadd.s32 s6, s8  }
0x10: {  	s6 =	sadd.s32 s7, s8;
	s10 =	simm.s32 $0x200;
	s7 =	sadd.s32 $0x22E00, s11  }
0x11: {  	s8 =	sadd.s32 $0x23600, s11;
	s9 =	smax.u32 s9, $0x1;
	s11 =	simm.s32 $0x1  }
.LBB2_1:
0x12: {  	[tilespmem:s2], [sflag:$0x1] =	stream.linear.gather [hbm4b:s5+s2], $0x200, $0x38;
	[tilespmem:$0xC00] =	vst v63  }
0x13: {  	_ = 	snop  }
0x14: {  	[tilespmem:s10], [sflag:$0x1] =	stream.linear.gather [hbm4b:s6+s2], $0x200, $0x38;
	[tilespmem:$0xC00] =	vst v63  }
0x15: {  	_ =	swait.ge [sflag:s11], $0x200  }
0x16: {  	[sflag:s11] =	ssyncset.done $0x0  }
0x17: {  	[sflag:s11] =	ssyncadd.s32 $0xFFFFFE00  }
0x18: {  	_ =	swait.ge [sflag:s11], $0x200  }
0x19: {  	[sflag:s11] =	ssyncset.done $0x0  }
0x1a: {  	[sflag:s11] =	ssyncadd.s32 $0xFFFFFE00  }
0x1b: {  	[tilespmem:s13], [sflag:$0x1] =	stream.indirect.gather [hbm4b:s3+s12], $0x1, s2, s12, $0xb8;
	[tilespmem:$0xC00] =	vst v63  }
0x1c: {  	_ = 	snop  }
0x1d: {  	[tilespmem:s14], [sflag:$0x1] =	stream.indirect.gather [hbm4b:s4+s12], $0x1, s10, s12, $0xb8;
	[tilespmem:$0xC00] =	vst v63  }
0x1e: {  	_ = 	snop  }
0x1f: {  	[tilespmem:s15], [sflag:$0x1] =	stream.indirect.gather [hbm4b:s3+s12], $0x1, s12, s12, $0xb8;
	[tilespmem:$0xC00] =	vst v63  }
0x20: {  	_ = 	snop  }
0x21: {  	[tilespmem:s17], [sflag:$0x1] =	stream.indirect.gather [hbm4b:s4+s12], $0x1, s16, s12, $0xb8;
	[tilespmem:$0xC00] =	vst v63  }
0x22: {  	_ = 	snop  }
0x23: {  	[tilespmem:s19], [sflag:$0x1] =	stream.indirect.gather [hbm4b:s3+s12], $0x1, s18, s12, $0xb8;
	[tilespmem:$0xC00] =	vst v63  }
0x24: {  	_ = 	snop  }
0x25: {  	[tilespmem:s21], [sflag:$0x1] =	stream.indirect.gather [hbm4b:s4+s12], $0x1, s20, s12, $0xb8;
	[tilespmem:$0xC00] =	vst v63  }
0x26: {  	_ = 	snop  }
0x27: {  	[tilespmem:s23], [sflag:$0x1] =	stream.indirect.gather [hbm4b:s3+s12], $0x1, s22, s12, $0xb8;
	[tilespmem:$0xC00] =	vst v63  }
0x28: {  	_ = 	snop  }
0x29: {  	[tilespmem:s25], [sflag:$0x1] =	stream.indirect.gather [hbm4b:s4+s12], $0x1, s24, s12, $0xb8;
	[tilespmem:$0xC00] =	vst v63  }
0x2a: {  	_ =	swait.ge [sflag:s11], $0x80  }
0x2b: {  	[sflag:s11] =	ssyncset.done $0x0  }
0x2c: {  	[sflag:s11] =	ssyncadd.s32 $0xFFFFFF80  }
0x2d: {  	_ =	swait.ge [sflag:s11], $0x80  }
0x2e: {  	[sflag:s11] =	ssyncset.done $0x0  }
0x2f: {  	[sflag:s11] =	ssyncadd.s32 $0xFFFFFF80  }
0x30: {  	_ =	swait.ge [sflag:s11], $0x80  }
0x31: {  	[sflag:s11] =	ssyncset.done $0x0  }
0x32: {  	[sflag:s11] =	ssyncadd.s32 $0xFFFFFF80  }
0x33: {  	_ =	swait.ge [sflag:s11], $0x80  }
0x34: {  	[sflag:s11] =	ssyncset.done $0x0  }
0x35: {  	[sflag:s11] =	ssyncadd.s32 $0xFFFFFF80  }
0x36: {  	_ =	swait.ge [sflag:s11], $0x80  }
0x37: {  	[sflag:s11] =	ssyncset.done $0x0  }
0x38: {  	[sflag:s11] =	ssyncadd.s32 $0xFFFFFF80  }
0x39: {  	_ =	swait.ge [sflag:s11], $0x80  }
0x3a: {  	[sflag:s11] =	ssyncset.done $0x0  }
0x3b: {  	[sflag:s11] =	ssyncadd.s32 $0xFFFFFF80  }
0x3c: {  	_ =	swait.ge [sflag:s11], $0x80  }
0x3d: {  	[sflag:s11] =	ssyncset.done $0x0  }
0x3e: {  	[sflag:s11] =	ssyncadd.s32 $0xFFFFFF80  }
0x3f: {  	_ =	swait.ge [sflag:s11], $0x80  }
0x40: {  	[sflag:s11] =	ssyncset.done $0x0  }
0x41: {  	[sflag:s11] =	ssyncadd.s32 $0xFFFFFF80  }
0x42: {  	v0 =	vld [tilespmem:$0x400]  }
0x43: {  	v1 =	vld [tilespmem:$0x600];
	_ =	sdelay $0x4  }
0x44: {  	v0 =	vadd.f32 v1, v0;
	_ =	sdelay $0x1  }
0x45: {  	v0 =	vsub.f32 $0.0e+00, v0;
	_ =	sdelay $0x1  }
0x46: {  	v0 =	vmul.f32 $1.442695020e+00, v0;
	_ =	sdelay $0x1  }
0x47: {  	(erf) = vpow2.f32 v0  }
0x48: {  	v49 =	vld [tilespmem:$0x410]  }
0x49: {  	v50 =	vld [tilespmem:$0x610];
	_ =	sdelay $0x4  }
0x4a: {  	v0 =	vadd.f32 v50, v49;
	_ =	sdelay $0x1  }
0x4b: {  	v0 =	vsub.f32 $0.0e+00, v0;
	v51 =	vpop (erf)  }
0x4c: {  	v1 =	vadd.f32 $1.000000000e+00, v51  }
0x4d: {  	v0 =	vmul.f32 $1.442695020e+00, v0  }
0x4e: {  	(erf) = vrcp.f32 v1  }
0x4f: {  	(erf) = vpow2.f32 v0  }
0x50: {  	v52 =	vld [tilespmem:$0x420]  }
0x51: {  	v53 =	vld [tilespmem:$0x620];
	_ =	sdelay $0x4  }
0x52: {  	v1 =	vadd.f32 v53, v52  }
0x53: {  	v0 =	vpop (erf)  }
0x54: {  	v1 =	vsub.f32 $0.0e+00, v1;
	v2 =	vpop (erf)  }
0x55: {  	v2 =	vadd.f32 $1.000000000e+00, v2  }
0x56: {  	v1 =	vmul.f32 $1.442695020e+00, v1  }
0x57: {  	(erf) = vrcp.f32 v2  }
0x58: {  	(erf) = vpow2.f32 v1  }
0x59: {  	v54 =	vld [tilespmem:$0x430]  }
0x5a: {  	v55 =	vld [tilespmem:$0x630];
	_ =	sdelay $0x4  }
0x5b: {  	v2 =	vadd.f32 v55, v54  }
0x5c: {  	v1 =	vpop (erf)  }
0x5d: {  	v2 =	vsub.f32 $0.0e+00, v2;
	v3 =	vpop (erf)  }
0x5e: {  	v3 =	vadd.f32 $1.000000000e+00, v3  }
0x5f: {  	v2 =	vmul.f32 $1.442695020e+00, v2  }
0x60: {  	(erf) = vrcp.f32 v3  }
0x61: {  	(erf) = vpow2.f32 v2  }
0x62: {  	v56 =	vld [tilespmem:$0x440]  }
0x63: {  	v57 =	vld [tilespmem:$0x640];
	_ =	sdelay $0x4  }
0x64: {  	v3 =	vadd.f32 v57, v56  }
0x65: {  	v2 =	vpop (erf)  }
0x66: {  	v3 =	vsub.f32 $0.0e+00, v3;
	v4 =	vpop (erf)  }
0x67: {  	v4 =	vadd.f32 $1.000000000e+00, v4  }
0x68: {  	v3 =	vmul.f32 $1.442695020e+00, v3  }
0x69: {  	(erf) = vrcp.f32 v4  }
0x6a: {  	(erf) = vpow2.f32 v3  }
0x6b: {  	v58 =	vld [tilespmem:$0x450]  }
0x6c: {  	v59 =	vld [tilespmem:$0x650];
	_ =	sdelay $0x4  }
0x6d: {  	v4 =	vadd.f32 v59, v58  }
0x6e: {  	v60 =	vpop (erf)  }
0x6f: {  	v4 =	vsub.f32 $0.0e+00, v4;
	v5 =	vpop (erf)  }
0x70: {  	v5 =	vadd.f32 $1.000000000e+00, v5  }
0x71: {  	v4 =	vmul.f32 $1.442695020e+00, v4  }
0x72: {  	(erf) = vrcp.f32 v5  }
0x73: {  	(erf) = vpow2.f32 v4  }
0x74: {  	v61 =	vld [tilespmem:$0x460]  }
0x75: {  	v62 =	vld [tilespmem:$0x660];
	_ =	sdelay $0x4  }
0x76: {  	v5 =	vadd.f32 v62, v61  }
0x77: {  	v63 =	vpop (erf)  }
0x78: {  	v5 =	vsub.f32 $0.0e+00, v5;
	v6 =	vpop (erf)  }
0x79: {  	v6 =	vadd.f32 $1.000000000e+00, v6  }
0x7a: {  	v5 =	vmul.f32 $1.442695020e+00, v5  }
0x7b: {  	(erf) = vrcp.f32 v6  }
0x7c: {  	(erf) = vpow2.f32 v5  }
0x7d: {  	v10 =	vld [tilespmem:$0x470]  }
0x7e: {  	v11 =	vld [tilespmem:$0x670];
	_ =	sdelay $0x4  }
0x7f: {  	v6 =	vadd.f32 v11, v10  }
0x80: {  	v5 =	vpop (erf)  }
0x81: {  	v6 =	vsub.f32 $0.0e+00, v6;
	v7 =	vpop (erf)  }
0x82: {  	v7 =	vadd.f32 $1.000000000e+00, v7  }
0x83: {  	v6 =	vmul.f32 $1.442695020e+00, v6  }
0x84: {  	(erf) = vrcp.f32 v7  }
0x85: {  	(erf) = vpow2.f32 v6  }
0x86: {  	v12 =	vld [tilespmem:$0x480]  }
0x87: {  	v13 =	vld [tilespmem:$0x680];
	_ =	sdelay $0x4  }
0x88: {  	v7 =	vadd.f32 v13, v12  }
0x89: {  	v6 =	vpop (erf)  }
0x8a: {  	v7 =	vsub.f32 $0.0e+00, v7;
	v8 =	vpop (erf)  }
0x8b: {  	v8 =	vadd.f32 $1.000000000e+00, v8  }
0x8c: {  	v7 =	vmul.f32 $1.442695020e+00, v7  }
0x8d: {  	(erf) = vrcp.f32 v8  }
0x8e: {  	(erf) = vpow2.f32 v7  }
0x8f: {  	v14 =	vld [tilespmem:$0x490]  }
0x90: {  	v15 =	vld [tilespmem:$0x690];
	_ =	sdelay $0x4  }
0x91: {  	v8 =	vadd.f32 v15, v14  }
0x92: {  	v7 =	vpop (erf)  }
0x93: {  	v8 =	vsub.f32 $0.0e+00, v8;
	v9 =	vpop (erf)  }
0x94: {  	v9 =	vadd.f32 $1.000000000e+00, v9  }
0x95: {  	v8 =	vmul.f32 $1.442695020e+00, v8  }
0x96: {  	(erf) = vrcp.f32 v9  }
0x97: {  	(erf) = vpow2.f32 v8  }
0x98: {  	v16 =	vld [tilespmem:$0x4A0]  }
0x99: {  	v17 =	vld [tilespmem:$0x6A0];
	_ =	sdelay $0x4  }
0x9a: {  	v9 =	vadd.f32 v17, v16  }
0x9b: {  	v8 =	vpop (erf)  }
0x9c: {  	v9 =	vsub.f32 $0.0e+00, v9;
	v10 =	vpop (erf)  }
0x9d: {  	v10 =	vadd.f32 $1.000000000e+00, v10  }
0x9e: {  	v9 =	vmul.f32 $1.442695020e+00, v9  }
0x9f: {  	(erf) = vrcp.f32 v10  }
0xa0: {  	(erf) = vpow2.f32 v9  }
0xa1: {  	v18 =	vld [tilespmem:$0x4B0]  }
0xa2: {  	v19 =	vld [tilespmem:$0x6B0];
	_ =	sdelay $0x4  }
0xa3: {  	v10 =	vadd.f32 v19, v18  }
0xa4: {  	v9 =	vpop (erf)  }
0xa5: {  	v10 =	vsub.f32 $0.0e+00, v10;
	v11 =	vpop (erf)  }
0xa6: {  	v11 =	vadd.f32 $1.000000000e+00, v11  }
0xa7: {  	v10 =	vmul.f32 $1.442695020e+00, v10  }
0xa8: {  	(erf) = vrcp.f32 v11  }
0xa9: {  	(erf) = vpow2.f32 v10  }
0xaa: {  	v20 =	vld [tilespmem:$0x4C0]  }
0xab: {  	v21 =	vld [tilespmem:$0x6C0];
	_ =	sdelay $0x4  }
0xac: {  	v11 =	vadd.f32 v21, v20  }
0xad: {  	v10 =	vpop (erf)  }
0xae: {  	v11 =	vsub.f32 $0.0e+00, v11;
	v12 =	vpop (erf)  }
0xaf: {  	v12 =	vadd.f32 $1.000000000e+00, v12  }
0xb0: {  	v11 =	vmul.f32 $1.442695020e+00, v11  }
0xb1: {  	(erf) = vrcp.f32 v12  }
0xb2: {  	(erf) = vpow2.f32 v11  }
0xb3: {  	v22 =	vld [tilespmem:$0x4D0]  }
0xb4: {  	v23 =	vld [tilespmem:$0x6D0];
	_ =	sdelay $0x4  }
0xb5: {  	v12 =	vadd.f32 v23, v22  }
0xb6: {  	v11 =	vpop (erf)  }
0xb7: {  	v12 =	vsub.f32 $0.0e+00, v12;
	v13 =	vpop (erf)  }
0xb8: {  	v13 =	vadd.f32 $1.000000000e+00, v13  }
0xb9: {  	v12 =	vmul.f32 $1.442695020e+00, v12  }
0xba: {  	(erf) = vrcp.f32 v13  }
0xbb: {  	(erf) = vpow2.f32 v12  }
0xbc: {  	v24 =	vld [tilespmem:$0x4E0]  }
0xbd: {  	v25 =	vld [tilespmem:$0x6E0];
	_ =	sdelay $0x4  }
0xbe: {  	v13 =	vadd.f32 v25, v24  }
0xbf: {  	v12 =	vpop (erf)  }
0xc0: {  	v13 =	vsub.f32 $0.0e+00, v13;
	v14 =	vpop (erf)  }
0xc1: {  	v14 =	vadd.f32 $1.000000000e+00, v14  }
0xc2: {  	v13 =	vmul.f32 $1.442695020e+00, v13  }
0xc3: {  	(erf) = vrcp.f32 v14  }
0xc4: {  	(erf) = vpow2.f32 v13  }
0xc5: {  	v26 =	vld [tilespmem:$0x4F0]  }
0xc6: {  	v27 =	vld [tilespmem:$0x6F0];
	_ =	sdelay $0x4  }
0xc7: {  	v14 =	vadd.f32 v27, v26  }
0xc8: {  	v13 =	vpop (erf)  }
0xc9: {  	v14 =	vsub.f32 $0.0e+00, v14;
	v15 =	vpop (erf)  }
0xca: {  	v15 =	vadd.f32 $1.000000000e+00, v15  }
0xcb: {  	v14 =	vmul.f32 $1.442695020e+00, v14  }
0xcc: {  	(erf) = vrcp.f32 v15  }
0xcd: {  	(erf) = vpow2.f32 v14  }
0xce: {  	v28 =	vld [tilespmem:$0x500]  }
0xcf: {  	v29 =	vld [tilespmem:$0x700];
	_ =	sdelay $0x4  }
0xd0: {  	v15 =	vadd.f32 v29, v28  }
0xd1: {  	v14 =	vpop (erf)  }
0xd2: {  	v15 =	vsub.f32 $0.0e+00, v15;
	v16 =	vpop (erf)  }
0xd3: {  	v16 =	vadd.f32 $1.000000000e+00, v16  }
0xd4: {  	v15 =	vmul.f32 $1.442695020e+00, v15  }
0xd5: {  	(erf) = vrcp.f32 v16  }
0xd6: {  	(erf) = vpow2.f32 v15  }
0xd7: {  	v30 =	vld [tilespmem:$0x510]  }
0xd8: {  	v31 =	vld [tilespmem:$0x710];
	_ =	sdelay $0x4  }
0xd9: {  	v16 =	vadd.f32 v31, v30  }
0xda: {  	v15 =	vpop (erf)  }
0xdb: {  	v16 =	vsub.f32 $0.0e+00, v16;
	v17 =	vpop (erf)  }
0xdc: {  	v17 =	vadd.f32 $1.000000000e+00, v17  }
0xdd: {  	v16 =	vmul.f32 $1.442695020e+00, v16  }
0xde: {  	(erf) = vrcp.f32 v17  }
0xdf: {  	(erf) = vpow2.f32 v16  }
0xe0: {  	v32 =	vld [tilespmem:$0x520]  }
0xe1: {  	v33 =	vld [tilespmem:$0x720];
	_ =	sdelay $0x4  }
0xe2: {  	v17 =	vadd.f32 v33, v32  }
0xe3: {  	v16 =	vpop (erf)  }
0xe4: {  	v17 =	vsub.f32 $0.0e+00, v17;
	v18 =	vpop (erf)  }
0xe5: {  	v18 =	vadd.f32 $1.000000000e+00, v18  }
0xe6: {  	v17 =	vmul.f32 $1.442695020e+00, v17  }
0xe7: {  	(erf) = vrcp.f32 v18  }
0xe8: {  	(erf) = vpow2.f32 v17  }
0xe9: {  	v34 =	vld [tilespmem:$0x530]  }
0xea: {  	v35 =	vld [tilespmem:$0x730];
	_ =	sdelay $0x4  }
0xeb: {  	v18 =	vadd.f32 v35, v34  }
0xec: {  	v17 =	vpop (erf)  }
0xed: {  	v18 =	vsub.f32 $0.0e+00, v18;
	v19 =	vpop (erf)  }
0xee: {  	v19 =	vadd.f32 $1.000000000e+00, v19  }
0xef: {  	v18 =	vmul.f32 $1.442695020e+00, v18  }
0xf0: {  	(erf) = vrcp.f32 v19  }
0xf1: {  	(erf) = vpow2.f32 v18  }
0xf2: {  	v36 =	vld [tilespmem:$0x540]  }
0xf3: {  	v37 =	vld [tilespmem:$0x740];
	_ =	sdelay $0x4  }
0xf4: {  	v19 =	vadd.f32 v37, v36  }
0xf5: {  	v18 =	vpop (erf)  }
0xf6: {  	v19 =	vsub.f32 $0.0e+00, v19;
	v20 =	vpop (erf)  }
0xf7: {  	v20 =	vadd.f32 $1.000000000e+00, v20  }
0xf8: {  	v19 =	vmul.f32 $1.442695020e+00, v19  }
0xf9: {  	(erf) = vrcp.f32 v20  }
0xfa: {  	(erf) = vpow2.f32 v19  }
0xfb: {  	v38 =	vld [tilespmem:$0x550]  }
0xfc: {  	v39 =	vld [tilespmem:$0x750];
	_ =	sdelay $0x4  }
0xfd: {  	v20 =	vadd.f32 v39, v38  }
0xfe: {  	v19 =	vpop (erf)  }
0xff: {  	v20 =	vsub.f32 $0.0e+00, v20;
	v21 =	vpop (erf)  }
0x100: {  	v21 =	vadd.f32 $1.000000000e+00, v21  }
0x101: {  	v20 =	vmul.f32 $1.442695020e+00, v20  }
0x102: {  	(erf) = vrcp.f32 v21  }
0x103: {  	(erf) = vpow2.f32 v20  }
0x104: {  	v40 =	vld [tilespmem:$0x560]  }
0x105: {  	v41 =	vld [tilespmem:$0x760];
	_ =	sdelay $0x4  }
0x106: {  	v21 =	vadd.f32 v41, v40  }
0x107: {  	v20 =	vpop (erf)  }
0x108: {  	v21 =	vsub.f32 $0.0e+00, v21;
	v22 =	vpop (erf)  }
0x109: {  	v22 =	vadd.f32 $1.000000000e+00, v22  }
0x10a: {  	v21 =	vmul.f32 $1.442695020e+00, v21  }
0x10b: {  	(erf) = vrcp.f32 v22  }
0x10c: {  	(erf) = vpow2.f32 v21  }
0x10d: {  	v42 =	vld [tilespmem:$0x570]  }
0x10e: {  	v43 =	vld [tilespmem:$0x770];
	_ =	sdelay $0x4  }
0x10f: {  	v22 =	vadd.f32 v43, v42  }
0x110: {  	v21 =	vpop (erf)  }
0x111: {  	v22 =	vsub.f32 $0.0e+00, v22;
	v23 =	vpop (erf)  }
0x112: {  	v23 =	vadd.f32 $1.000000000e+00, v23  }
0x113: {  	v22 =	vmul.f32 $1.442695020e+00, v22  }
0x114: {  	(erf) = vrcp.f32 v23  }
0x115: {  	(erf) = vpow2.f32 v22  }
0x116: {  	v44 =	vld [tilespmem:$0x580]  }
0x117: {  	v45 =	vld [tilespmem:$0x780];
	_ =	sdelay $0x4  }
0x118: {  	v23 =	vadd.f32 v45, v44  }
0x119: {  	v22 =	vpop (erf)  }
0x11a: {  	v23 =	vsub.f32 $0.0e+00, v23;
	v24 =	vpop (erf)  }
0x11b: {  	v24 =	vadd.f32 $1.000000000e+00, v24  }
0x11c: {  	v23 =	vmul.f32 $1.442695020e+00, v23  }
0x11d: {  	(erf) = vrcp.f32 v24  }
0x11e: {  	(erf) = vpow2.f32 v23  }
0x11f: {  	v46 =	vld [tilespmem:$0x590]  }
0x120: {  	v47 =	vld [tilespmem:$0x790];
	_ =	sdelay $0x4  }
0x121: {  	v24 =	vadd.f32 v47, v46  }
0x122: {  	v23 =	vpop (erf)  }
0x123: {  	v24 =	vsub.f32 $0.0e+00, v24;
	v25 =	vpop (erf)  }
0x124: {  	v25 =	vadd.f32 $1.000000000e+00, v25  }
0x125: {  	v24 =	vmul.f32 $1.442695020e+00, v24  }
0x126: {  	(erf) = vrcp.f32 v25  }
0x127: {  	(erf) = vpow2.f32 v24  }
0x128: {  	v48 =	vld [tilespmem:$0x5A0]  }
0x129: {  	v49 =	vld [tilespmem:$0x7A0];
	_ =	sdelay $0x4  }
0x12a: {  	v25 =	vadd.f32 v49, v48  }
0x12b: {  	v24 =	vpop (erf)  }
0x12c: {  	v25 =	vsub.f32 $0.0e+00, v25;
	v26 =	vpop (erf)  }
0x12d: {  	v26 =	vadd.f32 $1.000000000e+00, v26  }
0x12e: {  	v25 =	vmul.f32 $1.442695020e+00, v25  }
0x12f: {  	(erf) = vrcp.f32 v26  }
0x130: {  	(erf) = vpow2.f32 v25  }
0x131: {  	v50 =	vld [tilespmem:$0x5B0]  }
0x132: {  	v51 =	vld [tilespmem:$0x7B0];
	_ =	sdelay $0x4  }
0x133: {  	v25 =	vadd.f32 v51, v50  }
0x134: {  	v26 =	vpop (erf)  }
0x135: {  	v25 =	vsub.f32 $0.0e+00, v25;
	v27 =	vpop (erf)  }
0x136: {  	v27 =	vadd.f32 $1.000000000e+00, v27  }
0x137: {  	v25 =	vmul.f32 $1.442695020e+00, v25  }
0x138: {  	(erf) = vrcp.f32 v27  }
0x139: {  	(erf) = vpow2.f32 v25  }
0x13a: {  	v52 =	vld [tilespmem:$0x5C0]  }
0x13b: {  	v53 =	vld [tilespmem:$0x7C0];
	_ =	sdelay $0x4  }
0x13c: {  	v25 =	vadd.f32 v53, v52  }
0x13d: {  	v27 =	vpop (erf)  }
0x13e: {  	v25 =	vsub.f32 $0.0e+00, v25;
	v28 =	vpop (erf)  }
0x13f: {  	v28 =	vadd.f32 $1.000000000e+00, v28  }
0x140: {  	v25 =	vmul.f32 $1.442695020e+00, v25  }
0x141: {  	v54 =	vsub.f32 $1.000000000e+00, v0;
	(erf) = vrcp.f32 v28  }
0x142: {  	[tilespmem:$0x800] =	vst v0;
	(erf) = vpow2.f32 v25  }
0x143: {  	[tilespmem:$0xA00] =	vst v54;
	v55 =	vsub.f32 $1.000000000e+00, v1;
	v56 =	vld [tilespmem:$0x5D0]  }
0x144: {  	[tilespmem:$0x810] =	vst v1;
	v57 =	vld [tilespmem:$0x7D0]  }
0x145: {  	[tilespmem:$0xA10] =	vst v55;
	v58 =	vsub.f32 $1.000000000e+00, v2  }
0x146: {  	[tilespmem:$0x820] =	vst v2  }
0x147: {  	[tilespmem:$0xA20] =	vst v58;
	v59 =	vsub.f32 $1.000000000e+00, v60  }
0x148: {  	[tilespmem:$0x830] =	vst v60  }
0x149: {  	v1 =	vadd.f32 v57, v56;
	[tilespmem:$0xA30] =	vst v59;
	v60 =	vsub.f32 $1.000000000e+00, v63  }
0x14a: {  	[tilespmem:$0x840] =	vst v63;
	v61 =	vpop (erf)  }
0x14b: {  	v1 =	vsub.f32 $0.0e+00, v1;
	[tilespmem:$0xA40] =	vst v60;
	v62 =	vsub.f32 $1.000000000e+00, v5;
	v63 =	vpop (erf)  }
0x14c: {  	[tilespmem:$0x850] =	vst v5;
	v3 =	vadd.f32 $1.000000000e+00, v63  }
0x14d: {  	v1 =	vmul.f32 $1.442695020e+00, v1;
	[tilespmem:$0xA50] =	vst v62  }
0x14e: {  	[tilespmem:$0x860] =	vst v6;
	(erf) = vrcp.f32 v3  }
0x14f: {  	[tilespmem:$0x870] =	vst v7;
	(erf) = vpow2.f32 v1  }
0x150: {  	[tilespmem:$0x880] =	vst v8;
	v29 =	vld [tilespmem:$0x5E0]  }
0x151: {  	[tilespmem:$0x890] =	vst v9;
	v31 =	vld [tilespmem:$0x7E0]  }
0x152: {  	[tilespmem:$0x8A0] =	vst v10  }
0x153: {  	[tilespmem:$0x8B0] =	vst v11  }
0x154: {  	[tilespmem:$0x8C0] =	vst v12  }
0x155: {  	[tilespmem:$0x8D0] =	vst v13;
	v30 =	vsub.f32 $1.000000000e+00, v8  }
0x156: {  	[tilespmem:$0x8E0] =	vst v14;
	v1 =	vadd.f32 v31, v29  }
0x157: {  	[tilespmem:$0xA80] =	vst v30;
	v32 =	vsub.f32 $1.000000000e+00, v9;
	v35 =	vpop (erf)  }
0x158: {  	[tilespmem:$0x8F0] =	vst v15;
	v33 =	vsub.f32 $1.000000000e+00, v10;
	v1 =	vsub.f32 $0.0e+00, v1;
	v36 =	vpop (erf)  }
0x159: {  	[tilespmem:$0xA90] =	vst v32;
	v4 =	vadd.f32 $1.000000000e+00, v36  }
0x15a: {  	[tilespmem:$0xAA0] =	vst v33;
	v34 =	vsub.f32 $1.000000000e+00, v11;
	v1 =	vmul.f32 $1.442695020e+00, v1  }
0x15b: {  	[tilespmem:$0x900] =	vst v16;
	(erf) = vrcp.f32 v4  }
0x15c: {  	[tilespmem:$0xAB0] =	vst v34;
	v37 =	vsub.f32 $1.000000000e+00, v12;
	(erf) = vpow2.f32 v1  }
0x15d: {  	[tilespmem:$0x910] =	vst v17;
	v40 =	vld [tilespmem:$0x5F0]  }
0x15e: {  	[tilespmem:$0xAC0] =	vst v37;
	v38 =	vsub.f32 $1.000000000e+00, v13;
	v41 =	vld [tilespmem:$0x7F0]  }
0x15f: {  	[tilespmem:$0x920] =	vst v18;
	v39 =	vsub.f32 $1.000000000e+00, v14  }
0x160: {  	[tilespmem:$0xAD0] =	vst v38  }
0x161: {  	[tilespmem:$0xAE0] =	vst v39  }
0x162: {  	[tilespmem:$0x930] =	vst v19;
	v42 =	vsub.f32 $1.000000000e+00, v15  }
0x163: {  	[tilespmem:$0x940] =	vst v20;
	v43 =	vsub.f32 $1.000000000e+00, v16;
	v1 =	vadd.f32 v41, v40  }
0x164: {  	[tilespmem:$0xAF0] =	vst v42;
	v45 =	vpop (erf)  }
0x165: {  	[tilespmem:$0xB00] =	vst v43;
	v44 =	vsub.f32 $1.000000000e+00, v17;
	v1 =	vsub.f32 $0.0e+00, v1;
	v47 =	vpop (erf)  }
0x166: {  	[tilespmem:$0x950] =	vst v21;
	v5 =	vadd.f32 $1.000000000e+00, v47  }
0x167: {  	[tilespmem:$0xB10] =	vst v44;
	v46 =	vsub.f32 $1.000000000e+00, v18;
	v1 =	vmul.f32 $1.442695020e+00, v1  }
0x168: {  	[tilespmem:$0x960] =	vst v22;
	(erf) = vrcp.f32 v5  }
0x169: {  	[tilespmem:$0xB20] =	vst v46;
	v48 =	vsub.f32 $1.000000000e+00, v19;
	(erf) = vpow2.f32 v1  }
0x16a: {  	[tilespmem:$0x970] =	vst v23;
	v49 =	vsub.f32 $1.000000000e+00, v20  }
0x16b: {  	[tilespmem:$0xB30] =	vst v48  }
0x16c: {  	[tilespmem:$0xB40] =	vst v49;
	v54 =	vsub.f32 $1.000000000e+00, v24  }
0x16d: {  	[tilespmem:$0x980] =	vst v24;
	v50 =	vsub.f32 $1.000000000e+00, v21  }
0x16e: {  	[tilespmem:$0xB80] =	vst v54;
	v51 =	vsub.f32 $1.000000000e+00, v22  }
0x16f: {  	[tilespmem:$0xB50] =	vst v50  }
0x170: {  	[tilespmem:$0xB60] =	vst v51;
	v56 =	vsub.f32 $1.000000000e+00, v26  }
0x171: {  	[tilespmem:$0x990] =	vst v26;
	v52 =	vsub.f32 $1.000000000e+00, v23;
	v53 =	vpop (erf)  }
0x172: {  	[tilespmem:$0xB90] =	vst v56;
	v55 =	vpop (erf)  }
0x173: {  	[tilespmem:$0xB70] =	vst v52;
	v57 =	vsub.f32 $1.000000000e+00, v27;
	v5 =	vadd.f32 $1.000000000e+00, v55  }
0x174: {  	[tilespmem:$0x9A0] =	vst v27;
	v28 =	vsub.f32 $1.000000000e+00, v7  }
0x175: {  	[tilespmem:$0xBA0] =	vst v57;
	v25 =	vsub.f32 $1.000000000e+00, v6;
	(erf) = vrcp.f32 v5  }
0x176: {  	[tilespmem:$0xA70] =	vst v28  }
0x177: {  	[tilespmem:$0xA60] =	vst v25;
	v58 =	vsub.f32 $1.000000000e+00, v61  }
0x178: {  	[tilespmem:$0x9B0] =	vst v61  }
0x179: {  	[tilespmem:$0xBB0] =	vst v58;
	v59 =	vsub.f32 $1.000000000e+00, v35  }
0x17a: {  	[tilespmem:$0x9C0] =	vst v35  }
0x17b: {  	[tilespmem:$0xBC0] =	vst v59;
	v60 =	vsub.f32 $1.000000000e+00, v45  }
0x17c: {  	[tilespmem:$0x9D0] =	vst v45  }
0x17d: {  	[tilespmem:$0xBD0] =	vst v60;
	v61 =	vsub.f32 $1.000000000e+00, v53  }
0x17e: {  	[tilespmem:$0x9E0] =	vst v53;
	v62 =	vpop (erf)  }
0x17f: {  	[tilespmem:$0xBE0] =	vst v61;
	v63 =	vsub.f32 $1.000000000e+00, v62  }
0x180: {  	[tilespmem:$0x9F0] =	vst v62  }
0x181: {  	[tilespmem:$0xBF0] =	vst v63  }
0x182: {  	[hbm4b:s7+s2] =	stream.linear.scatter [tilespmem:s26], [sflag:$0x2], $0x200, $0x38;
	[tilespmem:$0xC00] =	vst v63  }
0x183: {  	_ =	swait.ge [sflag:s28], $0x200  }
0x184: {  	p0 =	sne.s32 s9, $0x1;
	[sflag:s28] =	ssyncset.done $0x0  }
.Ltmp0:
0x185: {  	[sflag:s28] =	ssyncadd.s32 $0xFFFFFE00;
	(pc) =	sbr.rel @p0 .LBB2_1-.Ltmp0, $4  }
0x186: {  	[hbm4b:s8+s2] =	stream.linear.scatter [tilespmem:s29], [sflag:$0x2], $0x200, $0x38;
	[tilespmem:$0xC00] =	vst v63  }
0x187: {  	_ =	swait.ge [sflag:s28], $0x200  }
0x188: {  	[sflag:s28] =	ssyncset.done $0x0  }
0x189: {  	s9 =	sadd.s32 $0xFFFFFFFF, s9;
	[sflag:s28] =	ssyncadd.s32 $0xFFFFFE00  }
0x18a: {  	_ =	sfence.sel $0x180000  }
0x18b: {  	[bflag:$0x0] =	sbarrier.arrive $0xFFFF  }
0x18c: {  	p0 =	sne.s32 s1, $0x0;
	_ =	strace $0x90000047  }
0x18d: {  	s0 =	sadd.s32 @!p0 $0x100000, s0;
	[bflag:$0x2] =	sbarrier.arrive $0xFFFF  }
0x18e: {  	[sflag:s0] =	ssyncadd.tile.s32 @!p0 $0x1;
	_ =	shalt  }
.Lfunc_end2:
_tile_overlayer_lowered:
.L_overlay_start_2:
0x18f: {  	(tag) =	ssettag $0x2  }
0x190: {  	s0 =	rddreg [dreg:$0x0];
	s2 =	stileid.u32  }
0x191: {  	s1 =	rddreg [dreg:$0x1];
	p0 =	sne.s32 s2, $0x0  }
0x192: {  	s3 =	rddreg [dreg:$0x2];
	[bflag:$0x3] =	sbarrier.arrive $0xFFFF;
	s2 =	simm.s32 @!p0 $0x1C02  }
0x193: {  	[timem:s3], [sflag:s2] =	dma.local @!p0 [hbm:s0], s1  }
0x194: {  	s0 =	simm.s32 @!p0 $0x2  }
0x195: {  	_ =	swait.ge @!p0 [sflag:s0], s1  }
0x196: {  	s1 =	ssub.s32 @!p0 $0x0, s1;
	[sflag:s0] =	ssyncset.done @!p0 $0x0  }
0x197: {  	[sflag:s0] =	ssyncadd.s32 @!p0 s1  }
0x198: {  	[bflag:$0x3] =	sbarrier.arrive $0xFFFF  }
0x199: {  	_ =	shalt  }

</sc_bundles>
